<compile_context>
chip_gen: v7x
topology: tpu7x:2x2x1
jax: 0.10.2.dev20260603
libtpu: 0.0.44.dev20260713+nightly
codegen_flags: <defaults>
</compile_context>

<pallas_src>
import functools

import jax
import jax.numpy as jnp
from jax import lax
from jax.experimental import pallas as pl
from jax.experimental.pallas import tpu as pltpu
from jax.experimental.pallas import tpu_sc as plsc

NUM_CORES = 2
NUM_SUBCORES = 16
NUM_WORKERS = NUM_CORES * NUM_SUBCORES

BATCH = 16384
HIST_LEN = 50
DIM = 64
VOCAB = 1000000
ROWS_PER_W = BATCH // NUM_WORKERS
NBUF = 8
N_GROUPS = ROWS_PER_W // NBUF

_MESH = plsc.VectorSubcoreMesh(
    core_axis_name="c",
    subcore_axis_name="s",
    num_cores=NUM_CORES,
    num_subcores=NUM_SUBCORES,
)


@functools.partial(
    pl.kernel,
    out_type=jax.ShapeDtypeStruct((BATCH, HIST_LEN, DIM), jnp.float32),
    mesh=_MESH,
    scratch_types=(
        [pltpu.VMEM((ROWS_PER_W, HIST_LEN), jnp.int32)]
        + [pltpu.VMEM((1, HIST_LEN, DIM), jnp.float32) for _ in range(NBUF)]
        + [pltpu.SemaphoreType.DMA for _ in range(2 * NBUF)]
    ),
    compiler_params=pltpu.CompilerParams(use_tc_tiling_on_sc=False),
)
def _gather_kernel(table_hbm, idx_hbm, out_hbm, idx_all, *bufs):
    rows = list(bufs[:NBUF])
    sem_g = list(bufs[NBUF:2 * NBUF])
    sem_w = list(bufs[2 * NBUF:])

    wid = lax.axis_index("s") * NUM_CORES + lax.axis_index("c")
    base = wid * ROWS_PER_W

    pltpu.sync_copy(idx_hbm.at[pl.ds(base, ROWS_PER_W)], idx_all)

    def gather_desc(j, b):
        return pltpu.make_async_copy(
            table_hbm.at[idx_all.at[pl.ds(j, 1)]], rows[b], sem_g[b])

    def write_desc(j, b):
        return pltpu.make_async_copy(
            rows[b], out_hbm.at[pl.ds(base + j, 1)], sem_w[b])

    for b in range(NBUF - 1):
        gather_desc(b, b).start()

    def group(g, _):
        for b in range(NBUF):
            j = g * NBUF + b
            bn = (b + NBUF - 1) % NBUF
            jn = j + NBUF - 1

            @pl.when(jn < ROWS_PER_W)
            def _():
                @pl.when(jn >= NBUF)
                def _():
                    write_desc(jn - NBUF, bn).wait()

                gather_desc(jn, bn).start()

            gather_desc(j, b).wait()
            write_desc(j, b).start()
        return 0

    lax.fori_loop(0, N_GROUPS, group, 0)

    for b in range(NBUF):
        write_desc(ROWS_PER_W - NBUF + b, b).wait()


def kernel(x, embedding):
    return _gather_kernel(embedding.reshape(1, VOCAB, DIM), x)

# --- scband reference (transcript-rebuilt; emitter-appended) ---
"""Pipeline reference for scband-embedding-layer-80418967650403 (READ-ONLY COPY).

The authoritative reference and input builder live on the scoring server;
editing this copy changes nothing except your own understanding.
"""

import jax, jax.numpy as jnp
import numpy as np
import math

VOCAB_DIM = 1000000
DIM = 64
BATCH = 16384
HIST_LEN = 50


def setup_inputs(seed: int = 0) -> dict:
    key = jax.random.key(seed)
    k_idx, k_emb = jax.random.split(key)
    x = jax.random.randint(k_idx, (BATCH, HIST_LEN), 0, VOCAB_DIM, dtype=jnp.int32)
    # kaiming_uniform_(a=sqrt(5)) on a (vocab_dim, dim) tensor: bound = sqrt(6 / ((1 + a^2) * fan_in)) with fan_in = dim
    gain = math.sqrt(2.0 / (1.0 + 5.0))
    bound = gain * math.sqrt(3.0 / DIM)
    embedding = jax.random.uniform(k_emb, (VOCAB_DIM, DIM), dtype=jnp.float32, minval=-bound, maxval=bound)
    return {"x": x, "embedding": embedding}


def reference(x, embedding):
    # EmbeddingLayer.forward: self.embedding[x]
    return jnp.take(embedding, x, axis=0)

if __name__ == "__main__":
    import jax
    _d = setup_inputs()
    print(jax.jit(kernel)(*tuple(_d.values())))

</pallas_src>

<mosaic_0001>
#map = affine_map<(d0, d1) -> (0, 0, 0)>
#map1 = affine_map<(d0, d1) -> (0, 0)>
module attributes {stable_mosaic.version = 14 : i64} {
  func.func @_gather_kernel(%arg0: i32, %arg1: i32, %arg2: memref<1x1000000x64xf32, #tpu.memory_space<hbm>>, %arg3: memref<16384x50xi32, #tpu.memory_space<hbm>>, %arg4: memref<16384x50x64xf32, #tpu.memory_space<hbm>>, %arg5: memref<512x50xi32, #tpu.memory_space<vmem>>, %arg6: memref<1x50x64xf32, #tpu.memory_space<vmem>>, %arg7: memref<1x50x64xf32, #tpu.memory_space<vmem>>, %arg8: memref<1x50x64xf32, #tpu.memory_space<vmem>>, %arg9: memref<1x50x64xf32, #tpu.memory_space<vmem>>, %arg10: memref<1x50x64xf32, #tpu.memory_space<vmem>>, %arg11: memref<1x50x64xf32, #tpu.memory_space<vmem>>, %arg12: memref<1x50x64xf32, #tpu.memory_space<vmem>>, %arg13: memref<1x50x64xf32, #tpu.memory_space<vmem>>, %arg14: memref<!tpu.dma_semaphore, #tpu.memory_space<semaphore_mem>>, %arg15: memref<!tpu.dma_semaphore, #tpu.memory_space<semaphore_mem>>, %arg16: memref<!tpu.dma_semaphore, #tpu.memory_space<semaphore_mem>>, %arg17: memref<!tpu.dma_semaphore, #tpu.memory_space<semaphore_mem>>, %arg18: memref<!tpu.dma_semaphore, #tpu.memory_space<semaphore_mem>>, %arg19: memref<!tpu.dma_semaphore, #tpu.memory_space<semaphore_mem>>, %arg20: memref<!tpu.dma_semaphore, #tpu.memory_space<semaphore_mem>>, %arg21: memref<!tpu.dma_semaphore, #tpu.memory_space<semaphore_mem>>, %arg22: memref<!tpu.dma_semaphore, #tpu.memory_space<semaphore_mem>>, %arg23: memref<!tpu.dma_semaphore, #tpu.memory_space<semaphore_mem>>, %arg24: memref<!tpu.dma_semaphore, #tpu.memory_space<semaphore_mem>>, %arg25: memref<!tpu.dma_semaphore, #tpu.memory_space<semaphore_mem>>, %arg26: memref<!tpu.dma_semaphore, #tpu.memory_space<semaphore_mem>>, %arg27: memref<!tpu.dma_semaphore, #tpu.memory_space<semaphore_mem>>, %arg28: memref<!tpu.dma_semaphore, #tpu.memory_space<semaphore_mem>>, %arg29: memref<!tpu.dma_semaphore, #tpu.memory_space<semaphore_mem>>) attributes {dimension_semantics = [#tpu.dimension_semantics<core_parallel>, #tpu.dimension_semantics<subcore_parallel>], iteration_bounds = array<i64: 2, 16>, scalar_prefetch = 0 : i64, scratch_operands = 25 : i64, tpu.core_type = #tpu.core_type<sc_vector_subcore>, window_params = [{transform_indices = #map}, {transform_indices = #map1}, {transform_indices = #map}]} {
    %mul3A = arith.constant 2 : i32
    %mul3A_0 = arith.muli %arg1, %mul3A : i32
    %add3A = arith.addi %mul3A_0, %arg0 : i32
    %mul3A_1 = arith.constant 512 : i32
    %mul3A_2 = arith.muli %add3A, %mul3A_1 : i32
    "tpu.region"() ({
      %run_scoped3A = tpu.sem_alloc : memref<!tpu.dma_semaphore, #tpu.memory_space<semaphore_mem>>
      %dma_start3A_120 = arith.constant 0 : i32
      %dma_start3A_121 = tpu.memref_slice %arg3[%mul3A_2, %dma_start3A_120] : memref<16384x50xi32, #tpu.memory_space<hbm>> -> memref<512x50xi32, #tpu.memory_space<hbm>>
      %dma_start3A_122 = arith.constant 0 : i32
      %dma_start3A_123 = tpu.memref_slice %arg3[%mul3A_2, %dma_start3A_122] : memref<16384x50xi32, #tpu.memory_space<hbm>> -> memref<512x50xi32, #tpu.memory_space<hbm>>
      tpu.enqueue_dma source(%dma_start3A_123 : memref<512x50xi32, #tpu.memory_space<hbm>>) target(%arg5 : memref<512x50xi32, #tpu.memory_space<vmem>>) target_semaphore(%run_scoped3A : memref<!tpu.dma_semaphore, #tpu.memory_space<semaphore_mem>>)
      %dma_wait3A_124 = arith.constant 0 : i32
      %dma_wait3A_125 = tpu.memref_slice %arg3[%mul3A_2, %dma_wait3A_124] : memref<16384x50xi32, #tpu.memory_space<hbm>> -> memref<512x50xi32, #tpu.memory_space<hbm>>
      %dma_wait3A_126 = arith.constant 0 : i32
      %dma_wait3A_127 = tpu.memref_slice %arg3[%mul3A_2, %dma_wait3A_126] : memref<16384x50xi32, #tpu.memory_space<hbm>> -> memref<512x50xi32, #tpu.memory_space<hbm>>
      tpu.wait_dma2 semaphore(%run_scoped3A : memref<!tpu.dma_semaphore, #tpu.memory_space<semaphore_mem>>) src(%dma_wait3A_127 : memref<512x50xi32, #tpu.memory_space<hbm>>) dst(%arg5 : memref<512x50xi32, #tpu.memory_space<vmem>>)
      tpu.yield
    }) : () -> ()
    %dma_start3A = arith.constant 0 : i32
    %dma_start3A_3 = arith.constant 0 : i32
    %dma_start3A_4 = tpu.memref_slice %arg5[%dma_start3A, %dma_start3A_3] : memref<512x50xi32, #tpu.memory_space<vmem>> -> memref<1x50xi32, #tpu.memory_space<vmem>>
    %dma_start3A_5 = arith.constant 0 : i32
    %dma_start3A_6 = arith.constant 0 : i32
    %dma_start3A_7 = arith.constant 0 : i32
    %dma_start3A_8 = tpu.memref_slice %arg2[%dma_start3A_5, %dma_start3A_6, %dma_start3A_7] : memref<1x1000000x64xf32, #tpu.memory_space<hbm>> -> memref<1x1000000x64xf32, #tpu.memory_space<hbm>>
    tpu.enqueue_indirect_dma source(%dma_start3A_8 : memref<1x1000000x64xf32, #tpu.memory_space<hbm>>) target(%arg6 : memref<1x50x64xf32, #tpu.memory_space<vmem>>) offsets(%dma_start3A_4 : memref<1x50xi32, #tpu.memory_space<vmem>>) semaphore(%arg14 : memref<!tpu.dma_semaphore, #tpu.memory_space<semaphore_mem>>)
    %dma_start3A_9 = arith.constant 1 : i32
    %dma_start3A_10 = arith.constant 0 : i32
    %dma_start3A_11 = tpu.memref_slice %arg5[%dma_start3A_9, %dma_start3A_10] : memref<512x50xi32, #tpu.memory_space<vmem>> -> memref<1x50xi32, #tpu.memory_space<vmem>>
    %dma_start3A_12 = arith.constant 0 : i32
    %dma_start3A_13 = arith.constant 0 : i32
    %dma_start3A_14 = arith.constant 0 : i32
    %dma_start3A_15 = tpu.memref_slice %arg2[%dma_start3A_12, %dma_start3A_13, %dma_start3A_14] : memref<1x1000000x64xf32, #tpu.memory_space<hbm>> -> memref<1x1000000x64xf32, #tpu.memory_space<hbm>>
    tpu.enqueue_indirect_dma source(%dma_start3A_15 : memref<1x1000000x64xf32, #tpu.memory_space<hbm>>) target(%arg7 : memref<1x50x64xf32, #tpu.memory_space<vmem>>) offsets(%dma_start3A_11 : memref<1x50xi32, #tpu.memory_space<vmem>>) semaphore(%arg15 : memref<!tpu.dma_semaphore, #tpu.memory_space<semaphore_mem>>)
    %dma_start3A_16 = arith.constant 2 : i32
    %dma_start3A_17 = arith.constant 0 : i32
    %dma_start3A_18 = tpu.memref_slice %arg5[%dma_start3A_16, %dma_start3A_17] : memref<512x50xi32, #tpu.memory_space<vmem>> -> memref<1x50xi32, #tpu.memory_space<vmem>>
    %dma_start3A_19 = arith.constant 0 : i32
    %dma_start3A_20 = arith.constant 0 : i32
    %dma_start3A_21 = arith.constant 0 : i32
    %dma_start3A_22 = tpu.memref_slice %arg2[%dma_start3A_19, %dma_start3A_20, %dma_start3A_21] : memref<1x1000000x64xf32, #tpu.memory_space<hbm>> -> memref<1x1000000x64xf32, #tpu.memory_space<hbm>>
    tpu.enqueue_indirect_dma source(%dma_start3A_22 : memref<1x1000000x64xf32, #tpu.memory_space<hbm>>) target(%arg8 : memref<1x50x64xf32, #tpu.memory_space<vmem>>) offsets(%dma_start3A_18 : memref<1x50xi32, #tpu.memory_space<vmem>>) semaphore(%arg16 : memref<!tpu.dma_semaphore, #tpu.memory_space<semaphore_mem>>)
    %dma_start3A_23 = arith.constant 3 : i32
    %dma_start3A_24 = arith.constant 0 : i32
    %dma_start3A_25 = tpu.memref_slice %arg5[%dma_start3A_23, %dma_start3A_24] : memref<512x50xi32, #tpu.memory_space<vmem>> -> memref<1x50xi32, #tpu.memory_space<vmem>>
    %dma_start3A_26 = arith.constant 0 : i32
    %dma_start3A_27 = arith.constant 0 : i32
    %dma_start3A_28 = arith.constant 0 : i32
    %dma_start3A_29 = tpu.memref_slice %arg2[%dma_start3A_26, %dma_start3A_27, %dma_start3A_28] : memref<1x1000000x64xf32, #tpu.memory_space<hbm>> -> memref<1x1000000x64xf32, #tpu.memory_space<hbm>>
    tpu.enqueue_indirect_dma source(%dma_start3A_29 : memref<1x1000000x64xf32, #tpu.memory_space<hbm>>) target(%arg9 : memref<1x50x64xf32, #tpu.memory_space<vmem>>) offsets(%dma_start3A_25 : memref<1x50xi32, #tpu.memory_space<vmem>>) semaphore(%arg17 : memref<!tpu.dma_semaphore, #tpu.memory_space<semaphore_mem>>)
    %dma_start3A_30 = arith.constant 4 : i32
    %dma_start3A_31 = arith.constant 0 : i32
    %dma_start3A_32 = tpu.memref_slice %arg5[%dma_start3A_30, %dma_start3A_31] : memref<512x50xi32, #tpu.memory_space<vmem>> -> memref<1x50xi32, #tpu.memory_space<vmem>>
    %dma_start3A_33 = arith.constant 0 : i32
    %dma_start3A_34 = arith.constant 0 : i32
    %dma_start3A_35 = arith.constant 0 : i32
    %dma_start3A_36 = tpu.memref_slice %arg2[%dma_start3A_33, %dma_start3A_34, %dma_start3A_35] : memref<1x1000000x64xf32, #tpu.memory_space<hbm>> -> memref<1x1000000x64xf32, #tpu.memory_space<hbm>>
    tpu.enqueue_indirect_dma source(%dma_start3A_36 : memref<1x1000000x64xf32, #tpu.memory_space<hbm>>) target(%arg10 : memref<1x50x64xf32, #tpu.memory_space<vmem>>) offsets(%dma_start3A_32 : memref<1x50xi32, #tpu.memory_space<vmem>>) semaphore(%arg18 : memref<!tpu.dma_semaphore, #tpu.memory_space<semaphore_mem>>)
    %dma_start3A_37 = arith.constant 5 : i32
    %dma_start3A_38 = arith.constant 0 : i32
    %dma_start3A_39 = tpu.memref_slice %arg5[%dma_start3A_37, %dma_start3A_38] : memref<512x50xi32, #tpu.memory_space<vmem>> -> memref<1x50xi32, #tpu.memory_space<vmem>>
    %dma_start3A_40 = arith.constant 0 : i32
    %dma_start3A_41 = arith.constant 0 : i32
    %dma_start3A_42 = arith.constant 0 : i32
    %dma_start3A_43 = tpu.memref_slice %arg2[%dma_start3A_40, %dma_start3A_41, %dma_start3A_42] : memref<1x1000000x64xf32, #tpu.memory_space<hbm>> -> memref<1x1000000x64xf32, #tpu.memory_space<hbm>>
    tpu.enqueue_indirect_dma source(%dma_start3A_43 : memref<1x1000000x64xf32, #tpu.memory_space<hbm>>) target(%arg11 : memref<1x50x64xf32, #tpu.memory_space<vmem>>) offsets(%dma_start3A_39 : memref<1x50xi32, #tpu.memory_space<vmem>>) semaphore(%arg19 : memref<!tpu.dma_semaphore, #tpu.memory_space<semaphore_mem>>)
    %dma_start3A_44 = arith.constant 6 : i32
    %dma_start3A_45 = arith.constant 0 : i32
    %dma_start3A_46 = tpu.memref_slice %arg5[%dma_start3A_44, %dma_start3A_45] : memref<512x50xi32, #tpu.memory_space<vmem>> -> memref<1x50xi32, #tpu.memory_space<vmem>>
    %dma_start3A_47 = arith.constant 0 : i32
    %dma_start3A_48 = arith.constant 0 : i32
    %dma_start3A_49 = arith.constant 0 : i32
    %dma_start3A_50 = tpu.memref_slice %arg2[%dma_start3A_47, %dma_start3A_48, %dma_start3A_49] : memref<1x1000000x64xf32, #tpu.memory_space<hbm>> -> memref<1x1000000x64xf32, #tpu.memory_space<hbm>>
    tpu.enqueue_indirect_dma source(%dma_start3A_50 : memref<1x1000000x64xf32, #tpu.memory_space<hbm>>) target(%arg12 : memref<1x50x64xf32, #tpu.memory_space<vmem>>) offsets(%dma_start3A_46 : memref<1x50xi32, #tpu.memory_space<vmem>>) semaphore(%arg20 : memref<!tpu.dma_semaphore, #tpu.memory_space<semaphore_mem>>)
    %scan3A = arith.constant 0 : i32
    %scan3A_51 = arith.constant 0 : i32
    %scan3A_52 = arith.constant 64 : i32
    %scan3A_53 = arith.addi %scan3A_51, %scan3A_52 : i32
    %scan3A_54 = arith.constant 1 : i32
    %scan3A_55 = scf.for %scan3A_120 = %scan3A_51 to %scan3A_53 step %scan3A_54 iter_args(%scan3A_121 = %scan3A) -> (i32)  : i32 {
      %mul3A_122 = arith.constant 8 : i32
      %mul3A_123 = arith.muli %scan3A_120, %mul3A_122 : i32
      %add3A_124 = arith.constant 0 : i32
      %add3A_125 = arith.addi %mul3A_123, %add3A_124 : i32
      %add3A_126 = arith.constant 8 : i32
      %add3A_127 = arith.addi %add3A_125, %add3A_126 : i32
      %sub3A = arith.constant 1 : i32
      %sub3A_128 = arith.subi %add3A_127, %sub3A : i32
      %lt3A = arith.constant 512 : i32
      %lt3A_129 = arith.cmpi slt, %sub3A_128, %lt3A : i32
      %convert_element_type3A = arith.extui %lt3A_129 : i1 to i32
      %cond3A = arith.constant 0 : i32
      %cond3A_130 = arith.cmpi ne, %convert_element_type3A, %cond3A : i32
      scf.if %cond3A_130 {
        %ge3A = arith.constant 8 : i32
        %ge3A_327 = arith.cmpi sge, %sub3A_128, %ge3A : i32
        %convert_element_type3A_328 = arith.extui %ge3A_327 : i1 to i32
        %cond3A_329 = arith.constant 0 : i32
        %cond3A_330 = arith.cmpi ne, %convert_element_type3A_328, %cond3A_329 : i32
        scf.if %cond3A_330 {
          %sub3A_337 = arith.constant 8 : i32
          %sub3A_338 = arith.subi %sub3A_128, %sub3A_337 : i32
          %add3A_339 = arith.addi %mul3A_2, %sub3A_338 : i32
          %dma_wait3A_340 = arith.constant 0 : i32
          %dma_wait3A_341 = arith.constant 0 : i32
          %dma_wait3A_342 = tpu.memref_slice %arg4[%add3A_339, %dma_wait3A_340, %dma_wait3A_341] : memref<16384x50x64xf32, #tpu.memory_space<hbm>> -> memref<1x50x64xf32, #tpu.memory_space<hbm>>
          %dma_wait3A_343 = arith.constant 0 : i32
          %dma_wait3A_344 = arith.constant 0 : i32
          %dma_wait3A_345 = tpu.memref_slice %arg4[%add3A_339, %dma_wait3A_343, %dma_wait3A_344] : memref<16384x50x64xf32, #tpu.memory_space<hbm>> -> memref<1x50x64xf32, #tpu.memory_space<hbm>>
          tpu.wait_dma2 semaphore(%arg29 : memref<!tpu.dma_semaphore, #tpu.memory_space<semaphore_mem>>) src(%arg13 : memref<1x50x64xf32, #tpu.memory_space<vmem>>) dst(%dma_wait3A_345 : memref<1x50x64xf32, #tpu.memory_space<hbm>>)
        } else {
        }
        %dma_start3A_331 = arith.constant 0 : i32
        %dma_start3A_332 = tpu.memref_slice %arg5[%sub3A_128, %dma_start3A_331] : memref<512x50xi32, #tpu.memory_space<vmem>> -> memref<1x50xi32, #tpu.memory_space<vmem>>
        %dma_start3A_333 = arith.constant 0 : i32
        %dma_start3A_334 = arith.constant 0 : i32
        %dma_start3A_335 = arith.constant 0 : i32
        %dma_start3A_336 = tpu.memref_slice %arg2[%dma_start3A_333, %dma_start3A_334, %dma_start3A_335] : memref<1x1000000x64xf32, #tpu.memory_space<hbm>> -> memref<1x1000000x64xf32, #tpu.memory_space<hbm>>
        tpu.enqueue_indirect_dma source(%dma_start3A_336 : memref<1x1000000x64xf32, #tpu.memory_space<hbm>>) target(%arg13 : memref<1x50x64xf32, #tpu.memory_space<vmem>>) offsets(%dma_start3A_332 : memref<1x50xi32, #tpu.memory_space<vmem>>) semaphore(%arg21 : memref<!tpu.dma_semaphore, #tpu.memory_space<semaphore_mem>>)
      } else {
      }
      %dma_wait3A_131 = arith.constant 0 : i32
      %dma_wait3A_132 = tpu.memref_slice %arg5[%add3A_125, %dma_wait3A_131] : memref<512x50xi32, #tpu.memory_space<vmem>> -> memref<1x50xi32, #tpu.memory_space<vmem>>
      %dma_wait3A_133 = arith.constant 0 : i32
      %dma_wait3A_134 = arith.constant 0 : i32
      %dma_wait3A_135 = arith.constant 0 : i32
      %dma_wait3A_136 = tpu.memref_slice %arg2[%dma_wait3A_133, %dma_wait3A_134, %dma_wait3A_135] : memref<1x1000000x64xf32, #tpu.memory_space<hbm>> -> memref<1x1000000x64xf32, #tpu.memory_space<hbm>>
      tpu.wait_indirect_dma semaphore(%arg14 : memref<!tpu.dma_semaphore, #tpu.memory_space<semaphore_mem>>) src(%dma_wait3A_136 : memref<1x1000000x64xf32, #tpu.memory_space<hbm>>) dst(%arg6 : memref<1x50x64xf32, #tpu.memory_space<vmem>>)
      %add3A_137 = arith.addi %mul3A_2, %add3A_125 : i32
      %dma_start3A_138 = arith.constant 0 : i32
      %dma_start3A_139 = arith.constant 0 : i32
      %dma_start3A_140 = tpu.memref_slice %arg4[%add3A_137, %dma_start3A_138, %dma_start3A_139] : memref<16384x50x64xf32, #tpu.memory_space<hbm>> -> memref<1x50x64xf32, #tpu.memory_space<hbm>>
      %dma_start3A_141 = arith.constant 0 : i32
      %dma_start3A_142 = arith.constant 0 : i32
      %dma_start3A_143 = tpu.memref_slice %arg4[%add3A_137, %dma_start3A_141, %dma_start3A_142] : memref<16384x50x64xf32, #tpu.memory_space<hbm>> -> memref<1x50x64xf32, #tpu.memory_space<hbm>>
      tpu.enqueue_dma source(%arg6 : memref<1x50x64xf32, #tpu.memory_space<vmem>>) target(%dma_start3A_143 : memref<1x50x64xf32, #tpu.memory_space<hbm>>) target_semaphore(%arg22 : memref<!tpu.dma_semaphore, #tpu.memory_space<semaphore_mem>>)
      %mul3A_144 = arith.constant 8 : i32
      %mul3A_145 = arith.muli %scan3A_120, %mul3A_144 : i32
      %add3A_146 = arith.constant 1 : i32
      %add3A_147 = arith.addi %mul3A_145, %add3A_146 : i32
      %add3A_148 = arith.constant 8 : i32
      %add3A_149 = arith.addi %add3A_147, %add3A_148 : i32
      %sub3A_150 = arith.constant 1 : i32
      %sub3A_151 = arith.subi %add3A_149, %sub3A_150 : i32
      %lt3A_152 = arith.constant 512 : i32
      %lt3A_153 = arith.cmpi slt, %sub3A_151, %lt3A_152 : i32
      %convert_element_type3A_154 = arith.extui %lt3A_153 : i1 to i32
      %cond3A_155 = arith.constant 0 : i32
      %cond3A_156 = arith.cmpi ne, %convert_element_type3A_154, %cond3A_155 : i32
      scf.if %cond3A_156 {
        %ge3A = arith.constant 8 : i32
        %ge3A_327 = arith.cmpi sge, %sub3A_151, %ge3A : i32
        %convert_element_type3A_328 = arith.extui %ge3A_327 : i1 to i32
        %cond3A_329 = arith.constant 0 : i32
        %cond3A_330 = arith.cmpi ne, %convert_element_type3A_328, %cond3A_329 : i32
        scf.if %cond3A_330 {
          %sub3A_337 = arith.constant 8 : i32
          %sub3A_338 = arith.subi %sub3A_151, %sub3A_337 : i32
          %add3A_339 = arith.addi %mul3A_2, %sub3A_338 : i32
          %dma_wait3A_340 = arith.constant 0 : i32
          %dma_wait3A_341 = arith.constant 0 : i32
          %dma_wait3A_342 = tpu.memref_slice %arg4[%add3A_339, %dma_wait3A_340, %dma_wait3A_341] : memref<16384x50x64xf32, #tpu.memory_space<hbm>> -> memref<1x50x64xf32, #tpu.memory_space<hbm>>
          %dma_wait3A_343 = arith.constant 0 : i32
          %dma_wait3A_344 = arith.constant 0 : i32
          %dma_wait3A_345 = tpu.memref_slice %arg4[%add3A_339, %dma_wait3A_343, %dma_wait3A_344] : memref<16384x50x64xf32, #tpu.memory_space<hbm>> -> memref<1x50x64xf32, #tpu.memory_space<hbm>>
          tpu.wait_dma2 semaphore(%arg22 : memref<!tpu.dma_semaphore, #tpu.memory_space<semaphore_mem>>) src(%arg6 : memref<1x50x64xf32, #tpu.memory_space<vmem>>) dst(%dma_wait3A_345 : memref<1x50x64xf32, #tpu.memory_space<hbm>>)
        } else {
        }
        %dma_start3A_331 = arith.constant 0 : i32
        %dma_start3A_332 = tpu.memref_slice %arg5[%sub3A_151, %dma_start3A_331] : memref<512x50xi32, #tpu.memory_space<vmem>> -> memref<1x50xi32, #tpu.memory_space<vmem>>
        %dma_start3A_333 = arith.constant 0 : i32
        %dma_start3A_334 = arith.constant 0 : i32
        %dma_start3A_335 = arith.constant 0 : i32
        %dma_start3A_336 = tpu.memref_slice %arg2[%dma_start3A_333, %dma_start3A_334, %dma_start3A_335] : memref<1x1000000x64xf32, #tpu.memory_space<hbm>> -> memref<1x1000000x64xf32, #tpu.memory_space<hbm>>
        tpu.enqueue_indirect_dma source(%dma_start3A_336 : memref<1x1000000x64xf32, #tpu.memory_space<hbm>>) target(%arg6 : memref<1x50x64xf32, #tpu.memory_space<vmem>>) offsets(%dma_start3A_332 : memref<1x50xi32, #tpu.memory_space<vmem>>) semaphore(%arg14 : memref<!tpu.dma_semaphore, #tpu.memory_space<semaphore_mem>>)
      } else {
      }
      %dma_wait3A_157 = arith.constant 0 : i32
      %dma_wait3A_158 = tpu.memref_slice %arg5[%add3A_147, %dma_wait3A_157] : memref<512x50xi32, #tpu.memory_space<vmem>> -> memref<1x50xi32, #tpu.memory_space<vmem>>
      %dma_wait3A_159 = arith.constant 0 : i32
      %dma_wait3A_160 = arith.constant 0 : i32
      %dma_wait3A_161 = arith.constant 0 : i32
      %dma_wait3A_162 = tpu.memref_slice %arg2[%dma_wait3A_159, %dma_wait3A_160, %dma_wait3A_161] : memref<1x1000000x64xf32, #tpu.memory_space<hbm>> -> memref<1x1000000x64xf32, #tpu.memory_space<hbm>>
      tpu.wait_indirect_dma semaphore(%arg15 : memref<!tpu.dma_semaphore, #tpu.memory_space<semaphore_mem>>) src(%dma_wait3A_162 : memref<1x1000000x64xf32, #tpu.memory_space<hbm>>) dst(%arg7 : memref<1x50x64xf32, #tpu.memory_space<vmem>>)
      %add3A_163 = arith.addi %mul3A_2, %add3A_147 : i32
      %dma_start3A_164 = arith.constant 0 : i32
      %dma_start3A_165 = arith.constant 0 : i32
      %dma_start3A_166 = tpu.memref_slice %arg4[%add3A_163, %dma_start3A_164, %dma_start3A_165] : memref<16384x50x64xf32, #tpu.memory_space<hbm>> -> memref<1x50x64xf32, #tpu.memory_space<hbm>>
      %dma_start3A_167 = arith.constant 0 : i32
      %dma_start3A_168 = arith.constant 0 : i32
      %dma_start3A_169 = tpu.memref_slice %arg4[%add3A_163, %dma_start3A_167, %dma_start3A_168] : memref<16384x50x64xf32, #tpu.memory_space<hbm>> -> memref<1x50x64xf32, #tpu.memory_space<hbm>>
      tpu.enqueue_dma source(%arg7 : memref<1x50x64xf32, #tpu.memory_space<vmem>>) target(%dma_start3A_169 : memref<1x50x64xf32, #tpu.memory_space<hbm>>) target_semaphore(%arg23 : memref<!tpu.dma_semaphore, #tpu.memory_space<semaphore_mem>>)
      %mul3A_170 = arith.constant 8 : i32
      %mul3A_171 = arith.muli %scan3A_120, %mul3A_170 : i32
      %add3A_172 = arith.constant 2 : i32
      %add3A_173 = arith.addi %mul3A_171, %add3A_172 : i32
      %add3A_174 = arith.constant 8 : i32
      %add3A_175 = arith.addi %add3A_173, %add3A_174 : i32
      %sub3A_176 = arith.constant 1 : i32
      %sub3A_177 = arith.subi %add3A_175, %sub3A_176 : i32
      %lt3A_178 = arith.constant 512 : i32
      %lt3A_179 = arith.cmpi slt, %sub3A_177, %lt3A_178 : i32
      %convert_element_type3A_180 = arith.extui %lt3A_179 : i1 to i32
      %cond3A_181 = arith.constant 0 : i32
      %cond3A_182 = arith.cmpi ne, %convert_element_type3A_180, %cond3A_181 : i32
      scf.if %cond3A_182 {
        %ge3A = arith.constant 8 : i32
        %ge3A_327 = arith.cmpi sge, %sub3A_177, %ge3A : i32
        %convert_element_type3A_328 = arith.extui %ge3A_327 : i1 to i32
        %cond3A_329 = arith.constant 0 : i32
        %cond3A_330 = arith.cmpi ne, %convert_element_type3A_328, %cond3A_329 : i32
        scf.if %cond3A_330 {
          %sub3A_337 = arith.constant 8 : i32
          %sub3A_338 = arith.subi %sub3A_177, %sub3A_337 : i32
          %add3A_339 = arith.addi %mul3A_2, %sub3A_338 : i32
          %dma_wait3A_340 = arith.constant 0 : i32
          %dma_wait3A_341 = arith.constant 0 : i32
          %dma_wait3A_342 = tpu.memref_slice %arg4[%add3A_339, %dma_wait3A_340, %dma_wait3A_341] : memref<16384x50x64xf32, #tpu.memory_space<hbm>> -> memref<1x50x64xf32, #tpu.memory_space<hbm>>
          %dma_wait3A_343 = arith.constant 0 : i32
          %dma_wait3A_344 = arith.constant 0 : i32
          %dma_wait3A_345 = tpu.memref_slice %arg4[%add3A_339, %dma_wait3A_343, %dma_wait3A_344] : memref<16384x50x64xf32, #tpu.memory_space<hbm>> -> memref<1x50x64xf32, #tpu.memory_space<hbm>>
          tpu.wait_dma2 semaphore(%arg23 : memref<!tpu.dma_semaphore, #tpu.memory_space<semaphore_mem>>) src(%arg7 : memref<1x50x64xf32, #tpu.memory_space<vmem>>) dst(%dma_wait3A_345 : memref<1x50x64xf32, #tpu.memory_space<hbm>>)
        } else {
        }
        %dma_start3A_331 = arith.constant 0 : i32
        %dma_start3A_332 = tpu.memref_slice %arg5[%sub3A_177, %dma_start3A_331] : memref<512x50xi32, #tpu.memory_space<vmem>> -> memref<1x50xi32, #tpu.memory_space<vmem>>
        %dma_start3A_333 = arith.constant 0 : i32
        %dma_start3A_334 = arith.constant 0 : i32
        %dma_start3A_335 = arith.constant 0 : i32
        %dma_start3A_336 = tpu.memref_slice %arg2[%dma_start3A_333, %dma_start3A_334, %dma_start3A_335] : memref<1x1000000x64xf32, #tpu.memory_space<hbm>> -> memref<1x1000000x64xf32, #tpu.memory_space<hbm>>
        tpu.enqueue_indirect_dma source(%dma_start3A_336 : memref<1x1000000x64xf32, #tpu.memory_space<hbm>>) target(%arg7 : memref<1x50x64xf32, #tpu.memory_space<vmem>>) offsets(%dma_start3A_332 : memref<1x50xi32, #tpu.memory_space<vmem>>) semaphore(%arg15 : memref<!tpu.dma_semaphore, #tpu.memory_space<semaphore_mem>>)
      } else {
      }
      %dma_wait3A_183 = arith.constant 0 : i32
      %dma_wait3A_184 = tpu.memref_slice %arg5[%add3A_173, %dma_wait3A_183] : memref<512x50xi32, #tpu.memory_space<vmem>> -> memref<1x50xi32, #tpu.memory_space<vmem>>
      %dma_wait3A_185 = arith.constant 0 : i32
      %dma_wait3A_186 = arith.constant 0 : i32
      %dma_wait3A_187 = arith.constant 0 : i32
      %dma_wait3A_188 = tpu.memref_slice %arg2[%dma_wait3A_185, %dma_wait3A_186, %dma_wait3A_187] : memref<1x1000000x64xf32, #tpu.memory_space<hbm>> -> memref<1x1000000x64xf32, #tpu.memory_space<hbm>>
      tpu.wait_indirect_dma semaphore(%arg16 : memref<!tpu.dma_semaphore, #tpu.memory_space<semaphore_mem>>) src(%dma_wait3A_188 : memref<1x1000000x64xf32, #tpu.memory_space<hbm>>) dst(%arg8 : memref<1x50x64xf32, #tpu.memory_space<vmem>>)
      %add3A_189 = arith.addi %mul3A_2, %add3A_173 : i32
      %dma_start3A_190 = arith.constant 0 : i32
      %dma_start3A_191 = arith.constant 0 : i32
      %dma_start3A_192 = tpu.memref_slice %arg4[%add3A_189, %dma_start3A_190, %dma_start3A_191] : memref<16384x50x64xf32, #tpu.memory_space<hbm>> -> memref<1x50x64xf32, #tpu.memory_space<hbm>>
      %dma_start3A_193 = arith.constant 0 : i32
      %dma_start3A_194 = arith.constant 0 : i32
      %dma_start3A_195 = tpu.memref_slice %arg4[%add3A_189, %dma_start3A_193, %dma_start3A_194] : memref<16384x50x64xf32, #tpu.memory_space<hbm>> -> memref<1x50x64xf32, #tpu.memory_space<hbm>>
      tpu.enqueue_dma source(%arg8 : memref<1x50x64xf32, #tpu.memory_space<vmem>>) target(%dma_start3A_195 : memref<1x50x64xf32, #tpu.memory_space<hbm>>) target_semaphore(%arg24 : memref<!tpu.dma_semaphore, #tpu.memory_space<semaphore_mem>>)
      %mul3A_196 = arith.constant 8 : i32
      %mul3A_197 = arith.muli %scan3A_120, %mul3A_196 : i32
      %add3A_198 = arith.constant 3 : i32
      %add3A_199 = arith.addi %mul3A_197, %add3A_198 : i32
      %add3A_200 = arith.constant 8 : i32
      %add3A_201 = arith.addi %add3A_199, %add3A_200 : i32
      %sub3A_202 = arith.constant 1 : i32
      %sub3A_203 = arith.subi %add3A_201, %sub3A_202 : i32
      %lt3A_204 = arith.constant 512 : i32
      %lt3A_205 = arith.cmpi slt, %sub3A_203, %lt3A_204 : i32
      %convert_element_type3A_206 = arith.extui %lt3A_205 : i1 to i32
      %cond3A_207 = arith.constant 0 : i32
      %cond3A_208 = arith.cmpi ne, %convert_element_type3A_206, %cond3A_207 : i32
      scf.if %cond3A_208 {
        %ge3A = arith.constant 8 : i32
        %ge3A_327 = arith.cmpi sge, %sub3A_203, %ge3A : i32
        %convert_element_type3A_328 = arith.extui %ge3A_327 : i1 to i32
        %cond3A_329 = arith.constant 0 : i32
        %cond3A_330 = arith.cmpi ne, %convert_element_type3A_328, %cond3A_329 : i32
        scf.if %cond3A_330 {
          %sub3A_337 = arith.constant 8 : i32
          %sub3A_338 = arith.subi %sub3A_203, %sub3A_337 : i32
          %add3A_339 = arith.addi %mul3A_2, %sub3A_338 : i32
          %dma_wait3A_340 = arith.constant 0 : i32
          %dma_wait3A_341 = arith.constant 0 : i32
          %dma_wait3A_342 = tpu.memref_slice %arg4[%add3A_339, %dma_wait3A_340, %dma_wait3A_341] : memref<16384x50x64xf32, #tpu.memory_space<hbm>> -> memref<1x50x64xf32, #tpu.memory_space<hbm>>
          %dma_wait3A_343 = arith.constant 0 : i32
          %dma_wait3A_344 = arith.constant 0 : i32
          %dma_wait3A_345 = tpu.memref_slice %arg4[%add3A_339, %dma_wait3A_343, %dma_wait3A_344] : memref<16384x50x64xf32, #tpu.memory_space<hbm>> -> memref<1x50x64xf32, #tpu.memory_space<hbm>>
          tpu.wait_dma2 semaphore(%arg24 : memref<!tpu.dma_semaphore, #tpu.memory_space<semaphore_mem>>) src(%arg8 : memref<1x50x64xf32, #tpu.memory_space<vmem>>) dst(%dma_wait3A_345 : memref<1x50x64xf32, #tpu.memory_space<hbm>>)
        } else {
        }
        %dma_start3A_331 = arith.constant 0 : i32
        %dma_start3A_332 = tpu.memref_slice %arg5[%sub3A_203, %dma_start3A_331] : memref<512x50xi32, #tpu.memory_space<vmem>> -> memref<1x50xi32, #tpu.memory_space<vmem>>
        %dma_start3A_333 = arith.constant 0 : i32
        %dma_start3A_334 = arith.constant 0 : i32
        %dma_start3A_335 = arith.constant 0 : i32
        %dma_start3A_336 = tpu.memref_slice %arg2[%dma_start3A_333, %dma_start3A_334, %dma_start3A_335] : memref<1x1000000x64xf32, #tpu.memory_space<hbm>> -> memref<1x1000000x64xf32, #tpu.memory_space<hbm>>
        tpu.enqueue_indirect_dma source(%dma_start3A_336 : memref<1x1000000x64xf32, #tpu.memory_space<hbm>>) target(%arg8 : memref<1x50x64xf32, #tpu.memory_space<vmem>>) offsets(%dma_start3A_332 : memref<1x50xi32, #tpu.memory_space<vmem>>) semaphore(%arg16 : memref<!tpu.dma_semaphore, #tpu.memory_space<semaphore_mem>>)
      } else {
      }
      %dma_wait3A_209 = arith.constant 0 : i32
      %dma_wait3A_210 = tpu.memref_slice %arg5[%add3A_199, %dma_wait3A_209] : memref<512x50xi32, #tpu.memory_space<vmem>> -> memref<1x50xi32, #tpu.memory_space<vmem>>
      %dma_wait3A_211 = arith.constant 0 : i32
      %dma_wait3A_212 = arith.constant 0 : i32
      %dma_wait3A_213 = arith.constant 0 : i32
      %dma_wait3A_214 = tpu.memref_slice %arg2[%dma_wait3A_211, %dma_wait3A_212, %dma_wait3A_213] : memref<1x1000000x64xf32, #tpu.memory_space<hbm>> -> memref<1x1000000x64xf32, #tpu.memory_space<hbm>>
      tpu.wait_indirect_dma semaphore(%arg17 : memref<!tpu.dma_semaphore, #tpu.memory_space<semaphore_mem>>) src(%dma_wait3A_214 : memref<1x1000000x64xf32, #tpu.memory_space<hbm>>) dst(%arg9 : memref<1x50x64xf32, #tpu.memory_space<vmem>>)
      %add3A_215 = arith.addi %mul3A_2, %add3A_199 : i32
      %dma_start3A_216 = arith.constant 0 : i32
      %dma_start3A_217 = arith.constant 0 : i32
      %dma_start3A_218 = tpu.memref_slice %arg4[%add3A_215, %dma_start3A_216, %dma_start3A_217] : memref<16384x50x64xf32, #tpu.memory_space<hbm>> -> memref<1x50x64xf32, #tpu.memory_space<hbm>>
      %dma_start3A_219 = arith.constant 0 : i32
      %dma_start3A_220 = arith.constant 0 : i32
      %dma_start3A_221 = tpu.memref_slice %arg4[%add3A_215, %dma_start3A_219, %dma_start3A_220] : memref<16384x50x64xf32, #tpu.memory_space<hbm>> -> memref<1x50x64xf32, #tpu.memory_space<hbm>>
      tpu.enqueue_dma source(%arg9 : memref<1x50x64xf32, #tpu.memory_space<vmem>>) target(%dma_start3A_221 : memref<1x50x64xf32, #tpu.memory_space<hbm>>) target_semaphore(%arg25 : memref<!tpu.dma_semaphore, #tpu.memory_space<semaphore_mem>>)
      %mul3A_222 = arith.constant 8 : i32
      %mul3A_223 = arith.muli %scan3A_120, %mul3A_222 : i32
      %add3A_224 = arith.constant 4 : i32
      %add3A_225 = arith.addi %mul3A_223, %add3A_224 : i32
      %add3A_226 = arith.constant 8 : i32
      %add3A_227 = arith.addi %add3A_225, %add3A_226 : i32
      %sub3A_228 = arith.constant 1 : i32
      %sub3A_229 = arith.subi %add3A_227, %sub3A_228 : i32
      %lt3A_230 = arith.constant 512 : i32
      %lt3A_231 = arith.cmpi slt, %sub3A_229, %lt3A_230 : i32
      %convert_element_type3A_232 = arith.extui %lt3A_231 : i1 to i32
      %cond3A_233 = arith.constant 0 : i32
      %cond3A_234 = arith.cmpi ne, %convert_element_type3A_232, %cond3A_233 : i32
      scf.if %cond3A_234 {
        %ge3A = arith.constant 8 : i32
        %ge3A_327 = arith.cmpi sge, %sub3A_229, %ge3A : i32
        %convert_element_type3A_328 = arith.extui %ge3A_327 : i1 to i32
        %cond3A_329 = arith.constant 0 : i32
        %cond3A_330 = arith.cmpi ne, %convert_element_type3A_328, %cond3A_329 : i32
        scf.if %cond3A_330 {
          %sub3A_337 = arith.constant 8 : i32
          %sub3A_338 = arith.subi %sub3A_229, %sub3A_337 : i32
          %add3A_339 = arith.addi %mul3A_2, %sub3A_338 : i32
          %dma_wait3A_340 = arith.constant 0 : i32
          %dma_wait3A_341 = arith.constant 0 : i32
          %dma_wait3A_342 = tpu.memref_slice %arg4[%add3A_339, %dma_wait3A_340, %dma_wait3A_341] : memref<16384x50x64xf32, #tpu.memory_space<hbm>> -> memref<1x50x64xf32, #tpu.memory_space<hbm>>
          %dma_wait3A_343 = arith.constant 0 : i32
          %dma_wait3A_344 = arith.constant 0 : i32
          %dma_wait3A_345 = tpu.memref_slice %arg4[%add3A_339, %dma_wait3A_343, %dma_wait3A_344] : memref<16384x50x64xf32, #tpu.memory_space<hbm>> -> memref<1x50x64xf32, #tpu.memory_space<hbm>>
          tpu.wait_dma2 semaphore(%arg25 : memref<!tpu.dma_semaphore, #tpu.memory_space<semaphore_mem>>) src(%arg9 : memref<1x50x64xf32, #tpu.memory_space<vmem>>) dst(%dma_wait3A_345 : memref<1x50x64xf32, #tpu.memory_space<hbm>>)
        } else {
        }
        %dma_start3A_331 = arith.constant 0 : i32
        %dma_start3A_332 = tpu.memref_slice %arg5[%sub3A_229, %dma_start3A_331] : memref<512x50xi32, #tpu.memory_space<vmem>> -> memref<1x50xi32, #tpu.memory_space<vmem>>
        %dma_start3A_333 = arith.constant 0 : i32
        %dma_start3A_334 = arith.constant 0 : i32
        %dma_start3A_335 = arith.constant 0 : i32
        %dma_start3A_336 = tpu.memref_slice %arg2[%dma_start3A_333, %dma_start3A_334, %dma_start3A_335] : memref<1x1000000x64xf32, #tpu.memory_space<hbm>> -> memref<1x1000000x64xf32, #tpu.memory_space<hbm>>
        tpu.enqueue_indirect_dma source(%dma_start3A_336 : memref<1x1000000x64xf32, #tpu.memory_space<hbm>>) target(%arg9 : memref<1x50x64xf32, #tpu.memory_space<vmem>>) offsets(%dma_start3A_332 : memref<1x50xi32, #tpu.memory_space<vmem>>) semaphore(%arg17 : memref<!tpu.dma_semaphore, #tpu.memory_space<semaphore_mem>>)
      } else {
      }
      %dma_wait3A_235 = arith.constant 0 : i32
      %dma_wait3A_236 = tpu.memref_slice %arg5[%add3A_225, %dma_wait3A_235] : memref<512x50xi32, #tpu.memory_space<vmem>> -> memref<1x50xi32, #tpu.memory_space<vmem>>
      %dma_wait3A_237 = arith.constant 0 : i32
      %dma_wait3A_238 = arith.constant 0 : i32
      %dma_wait3A_239 = arith.constant 0 : i32
      %dma_wait3A_240 = tpu.memref_slice %arg2[%dma_wait3A_237, %dma_wait3A_238, %dma_wait3A_239] : memref<1x1000000x64xf32, #tpu.memory_space<hbm>> -> memref<1x1000000x64xf32, #tpu.memory_space<hbm>>
      tpu.wait_indirect_dma semaphore(%arg18 : memref<!tpu.dma_semaphore, #tpu.memory_space<semaphore_mem>>) src(%dma_wait3A_240 : memref<1x1000000x64xf32, #tpu.memory_space<hbm>>) dst(%arg10 : memref<1x50x64xf32, #tpu.memory_space<vmem>>)
      %add3A_241 = arith.addi %mul3A_2, %add3A_225 : i32
      %dma_start3A_242 = arith.constant 0 : i32
      %dma_start3A_243 = arith.constant 0 : i32
      %dma_start3A_244 = tpu.memref_slice %arg4[%add3A_241, %dma_start3A_242, %dma_start3A_243] : memref<16384x50x64xf32, #tpu.memory_space<hbm>> -> memref<1x50x64xf32, #tpu.memory_space<hbm>>
      %dma_start3A_245 = arith.constant 0 : i32
      %dma_start3A_246 = arith.constant 0 : i32
      %dma_start3A_247 = tpu.memref_slice %arg4[%add3A_241, %dma_start3A_245, %dma_start3A_246] : memref<16384x50x64xf32, #tpu.memory_space<hbm>> -> memref<1x50x64xf32, #tpu.memory_space<hbm>>
      tpu.enqueue_dma source(%arg10 : memref<1x50x64xf32, #tpu.memory_space<vmem>>) target(%dma_start3A_247 : memref<1x50x64xf32, #tpu.memory_space<hbm>>) target_semaphore(%arg26 : memref<!tpu.dma_semaphore, #tpu.memory_space<semaphore_mem>>)
      %mul3A_248 = arith.constant 8 : i32
      %mul3A_249 = arith.muli %scan3A_120, %mul3A_248 : i32
      %add3A_250 = arith.constant 5 : i32
      %add3A_251 = arith.addi %mul3A_249, %add3A_250 : i32
      %add3A_252 = arith.constant 8 : i32
      %add3A_253 = arith.addi %add3A_251, %add3A_252 : i32
      %sub3A_254 = arith.constant 1 : i32
      %sub3A_255 = arith.subi %add3A_253, %sub3A_254 : i32
      %lt3A_256 = arith.constant 512 : i32
      %lt3A_257 = arith.cmpi slt, %sub3A_255, %lt3A_256 : i32
      %convert_element_type3A_258 = arith.extui %lt3A_257 : i1 to i32
      %cond3A_259 = arith.constant 0 : i32
      %cond3A_260 = arith.cmpi ne, %convert_element_type3A_258, %cond3A_259 : i32
      scf.if %cond3A_260 {
        %ge3A = arith.constant 8 : i32
        %ge3A_327 = arith.cmpi sge, %sub3A_255, %ge3A : i32
        %convert_element_type3A_328 = arith.extui %ge3A_327 : i1 to i32
        %cond3A_329 = arith.constant 0 : i32
        %cond3A_330 = arith.cmpi ne, %convert_element_type3A_328, %cond3A_329 : i32
        scf.if %cond3A_330 {
          %sub3A_337 = arith.constant 8 : i32
          %sub3A_338 = arith.subi %sub3A_255, %sub3A_337 : i32
          %add3A_339 = arith.addi %mul3A_2, %sub3A_338 : i32
          %dma_wait3A_340 = arith.constant 0 : i32
          %dma_wait3A_341 = arith.constant 0 : i32
          %dma_wait3A_342 = tpu.memref_slice %arg4[%add3A_339, %dma_wait3A_340, %dma_wait3A_341] : memref<16384x50x64xf32, #tpu.memory_space<hbm>> -> memref<1x50x64xf32, #tpu.memory_space<hbm>>
          %dma_wait3A_343 = arith.constant 0 : i32
          %dma_wait3A_344 = arith.constant 0 : i32
          %dma_wait3A_345 = tpu.memref_slice %arg4[%add3A_339, %dma_wait3A_343, %dma_wait3A_344] : memref<16384x50x64xf32, #tpu.memory_space<hbm>> -> memref<1x50x64xf32, #tpu.memory_space<hbm>>
          tpu.wait_dma2 semaphore(%arg26 : memref<!tpu.dma_semaphore, #tpu.memory_space<semaphore_mem>>) src(%arg10 : memref<1x50x64xf32, #tpu.memory_space<vmem>>) dst(%dma_wait3A_345 : memref<1x50x64xf32, #tpu.memory_space<hbm>>)
        } else {
        }
        %dma_start3A_331 = arith.constant 0 : i32
        %dma_start3A_332 = tpu.memref_slice %arg5[%sub3A_255, %dma_start3A_331] : memref<512x50xi32, #tpu.memory_space<vmem>> -> memref<1x50xi32, #tpu.memory_space<vmem>>
        %dma_start3A_333 = arith.constant 0 : i32
        %dma_start3A_334 = arith.constant 0 : i32
        %dma_start3A_335 = arith.constant 0 : i32
        %dma_start3A_336 = tpu.memref_slice %arg2[%dma_start3A_333, %dma_start3A_334, %dma_start3A_335] : memref<1x1000000x64xf32, #tpu.memory_space<hbm>> -> memref<1x1000000x64xf32, #tpu.memory_space<hbm>>
        tpu.enqueue_indirect_dma source(%dma_start3A_336 : memref<1x1000000x64xf32, #tpu.memory_space<hbm>>) target(%arg10 : memref<1x50x64xf32, #tpu.memory_space<vmem>>) offsets(%dma_start3A_332 : memref<1x50xi32, #tpu.memory_space<vmem>>) semaphore(%arg18 : memref<!tpu.dma_semaphore, #tpu.memory_space<semaphore_mem>>)
      } else {
      }
      %dma_wait3A_261 = arith.constant 0 : i32
      %dma_wait3A_262 = tpu.memref_slice %arg5[%add3A_251, %dma_wait3A_261] : memref<512x50xi32, #tpu.memory_space<vmem>> -> memref<1x50xi32, #tpu.memory_space<vmem>>
      %dma_wait3A_263 = arith.constant 0 : i32
      %dma_wait3A_264 = arith.constant 0 : i32
      %dma_wait3A_265 = arith.constant 0 : i32
      %dma_wait3A_266 = tpu.memref_slice %arg2[%dma_wait3A_263, %dma_wait3A_264, %dma_wait3A_265] : memref<1x1000000x64xf32, #tpu.memory_space<hbm>> -> memref<1x1000000x64xf32, #tpu.memory_space<hbm>>
      tpu.wait_indirect_dma semaphore(%arg19 : memref<!tpu.dma_semaphore, #tpu.memory_space<semaphore_mem>>) src(%dma_wait3A_266 : memref<1x1000000x64xf32, #tpu.memory_space<hbm>>) dst(%arg11 : memref<1x50x64xf32, #tpu.memory_space<vmem>>)
      %add3A_267 = arith.addi %mul3A_2, %add3A_251 : i32
      %dma_start3A_268 = arith.constant 0 : i32
      %dma_start3A_269 = arith.constant 0 : i32
      %dma_start3A_270 = tpu.memref_slice %arg4[%add3A_267, %dma_start3A_268, %dma_start3A_269] : memref<16384x50x64xf32, #tpu.memory_space<hbm>> -> memref<1x50x64xf32, #tpu.memory_space<hbm>>
      %dma_start3A_271 = arith.constant 0 : i32
      %dma_start3A_272 = arith.constant 0 : i32
      %dma_start3A_273 = tpu.memref_slice %arg4[%add3A_267, %dma_start3A_271, %dma_start3A_272] : memref<16384x50x64xf32, #tpu.memory_space<hbm>> -> memref<1x50x64xf32, #tpu.memory_space<hbm>>
      tpu.enqueue_dma source(%arg11 : memref<1x50x64xf32, #tpu.memory_space<vmem>>) target(%dma_start3A_273 : memref<1x50x64xf32, #tpu.memory_space<hbm>>) target_semaphore(%arg27 : memref<!tpu.dma_semaphore, #tpu.memory_space<semaphore_mem>>)
      %mul3A_274 = arith.constant 8 : i32
      %mul3A_275 = arith.muli %scan3A_120, %mul3A_274 : i32
      %add3A_276 = arith.constant 6 : i32
      %add3A_277 = arith.addi %mul3A_275, %add3A_276 : i32
      %add3A_278 = arith.constant 8 : i32
      %add3A_279 = arith.addi %add3A_277, %add3A_278 : i32
      %sub3A_280 = arith.constant 1 : i32
      %sub3A_281 = arith.subi %add3A_279, %sub3A_280 : i32
      %lt3A_282 = arith.constant 512 : i32
      %lt3A_283 = arith.cmpi slt, %sub3A_281, %lt3A_282 : i32
      %convert_element_type3A_284 = arith.extui %lt3A_283 : i1 to i32
      %cond3A_285 = arith.constant 0 : i32
      %cond3A_286 = arith.cmpi ne, %convert_element_type3A_284, %cond3A_285 : i32
      scf.if %cond3A_286 {
        %ge3A = arith.constant 8 : i32
        %ge3A_327 = arith.cmpi sge, %sub3A_281, %ge3A : i32
        %convert_element_type3A_328 = arith.extui %ge3A_327 : i1 to i32
        %cond3A_329 = arith.constant 0 : i32
        %cond3A_330 = arith.cmpi ne, %convert_element_type3A_328, %cond3A_329 : i32
        scf.if %cond3A_330 {
          %sub3A_337 = arith.constant 8 : i32
          %sub3A_338 = arith.subi %sub3A_281, %sub3A_337 : i32
          %add3A_339 = arith.addi %mul3A_2, %sub3A_338 : i32
          %dma_wait3A_340 = arith.constant 0 : i32
          %dma_wait3A_341 = arith.constant 0 : i32
          %dma_wait3A_342 = tpu.memref_slice %arg4[%add3A_339, %dma_wait3A_340, %dma_wait3A_341] : memref<16384x50x64xf32, #tpu.memory_space<hbm>> -> memref<1x50x64xf32, #tpu.memory_space<hbm>>
          %dma_wait3A_343 = arith.constant 0 : i32
          %dma_wait3A_344 = arith.constant 0 : i32
          %dma_wait3A_345 = tpu.memref_slice %arg4[%add3A_339, %dma_wait3A_343, %dma_wait3A_344] : memref<16384x50x64xf32, #tpu.memory_space<hbm>> -> memref<1x50x64xf32, #tpu.memory_space<hbm>>
          tpu.wait_dma2 semaphore(%arg27 : memref<!tpu.dma_semaphore, #tpu.memory_space<semaphore_mem>>) src(%arg11 : memref<1x50x64xf32, #tpu.memory_space<vmem>>) dst(%dma_wait3A_345 : memref<1x50x64xf32, #tpu.memory_space<hbm>>)
        } else {
        }
        %dma_start3A_331 = arith.constant 0 : i32
        %dma_start3A_332 = tpu.memref_slice %arg5[%sub3A_281, %dma_start3A_331] : memref<512x50xi32, #tpu.memory_space<vmem>> -> memref<1x50xi32, #tpu.memory_space<vmem>>
        %dma_start3A_333 = arith.constant 0 : i32
        %dma_start3A_334 = arith.constant 0 : i32
        %dma_start3A_335 = arith.constant 0 : i32
        %dma_start3A_336 = tpu.memref_slice %arg2[%dma_start3A_333, %dma_start3A_334, %dma_start3A_335] : memref<1x1000000x64xf32, #tpu.memory_space<hbm>> -> memref<1x1000000x64xf32, #tpu.memory_space<hbm>>
        tpu.enqueue_indirect_dma source(%dma_start3A_336 : memref<1x1000000x64xf32, #tpu.memory_space<hbm>>) target(%arg11 : memref<1x50x64xf32, #tpu.memory_space<vmem>>) offsets(%dma_start3A_332 : memref<1x50xi32, #tpu.memory_space<vmem>>) semaphore(%arg19 : memref<!tpu.dma_semaphore, #tpu.memory_space<semaphore_mem>>)
      } else {
      }
      %dma_wait3A_287 = arith.constant 0 : i32
      %dma_wait3A_288 = tpu.memref_slice %arg5[%add3A_277, %dma_wait3A_287] : memref<512x50xi32, #tpu.memory_space<vmem>> -> memref<1x50xi32, #tpu.memory_space<vmem>>
      %dma_wait3A_289 = arith.constant 0 : i32
      %dma_wait3A_290 = arith.constant 0 : i32
      %dma_wait3A_291 = arith.constant 0 : i32
      %dma_wait3A_292 = tpu.memref_slice %arg2[%dma_wait3A_289, %dma_wait3A_290, %dma_wait3A_291] : memref<1x1000000x64xf32, #tpu.memory_space<hbm>> -> memref<1x1000000x64xf32, #tpu.memory_space<hbm>>
      tpu.wait_indirect_dma semaphore(%arg20 : memref<!tpu.dma_semaphore, #tpu.memory_space<semaphore_mem>>) src(%dma_wait3A_292 : memref<1x1000000x64xf32, #tpu.memory_space<hbm>>) dst(%arg12 : memref<1x50x64xf32, #tpu.memory_space<vmem>>)
      %add3A_293 = arith.addi %mul3A_2, %add3A_277 : i32
      %dma_start3A_294 = arith.constant 0 : i32
      %dma_start3A_295 = arith.constant 0 : i32
      %dma_start3A_296 = tpu.memref_slice %arg4[%add3A_293, %dma_start3A_294, %dma_start3A_295] : memref<16384x50x64xf32, #tpu.memory_space<hbm>> -> memref<1x50x64xf32, #tpu.memory_space<hbm>>
      %dma_start3A_297 = arith.constant 0 : i32
      %dma_start3A_298 = arith.constant 0 : i32
      %dma_start3A_299 = tpu.memref_slice %arg4[%add3A_293, %dma_start3A_297, %dma_start3A_298] : memref<16384x50x64xf32, #tpu.memory_space<hbm>> -> memref<1x50x64xf32, #tpu.memory_space<hbm>>
      tpu.enqueue_dma source(%arg12 : memref<1x50x64xf32, #tpu.memory_space<vmem>>) target(%dma_start3A_299 : memref<1x50x64xf32, #tpu.memory_space<hbm>>) target_semaphore(%arg28 : memref<!tpu.dma_semaphore, #tpu.memory_space<semaphore_mem>>)
      %mul3A_300 = arith.constant 8 : i32
      %mul3A_301 = arith.muli %scan3A_120, %mul3A_300 : i32
      %add3A_302 = arith.constant 7 : i32
      %add3A_303 = arith.addi %mul3A_301, %add3A_302 : i32
      %add3A_304 = arith.constant 8 : i32
      %add3A_305 = arith.addi %add3A_303, %add3A_304 : i32
      %sub3A_306 = arith.constant 1 : i32
      %sub3A_307 = arith.subi %add3A_305, %sub3A_306 : i32
      %lt3A_308 = arith.constant 512 : i32
      %lt3A_309 = arith.cmpi slt, %sub3A_307, %lt3A_308 : i32
      %convert_element_type3A_310 = arith.extui %lt3A_309 : i1 to i32
      %cond3A_311 = arith.constant 0 : i32
      %cond3A_312 = arith.cmpi ne, %convert_element_type3A_310, %cond3A_311 : i32
      scf.if %cond3A_312 {
        %ge3A = arith.constant 8 : i32
        %ge3A_327 = arith.cmpi sge, %sub3A_307, %ge3A : i32
        %convert_element_type3A_328 = arith.extui %ge3A_327 : i1 to i32
        %cond3A_329 = arith.constant 0 : i32
        %cond3A_330 = arith.cmpi ne, %convert_element_type3A_328, %cond3A_329 : i32
        scf.if %cond3A_330 {
          %sub3A_337 = arith.constant 8 : i32
          %sub3A_338 = arith.subi %sub3A_307, %sub3A_337 : i32
          %add3A_339 = arith.addi %mul3A_2, %sub3A_338 : i32
          %dma_wait3A_340 = arith.constant 0 : i32
          %dma_wait3A_341 = arith.constant 0 : i32
          %dma_wait3A_342 = tpu.memref_slice %arg4[%add3A_339, %dma_wait3A_340, %dma_wait3A_341] : memref<16384x50x64xf32, #tpu.memory_space<hbm>> -> memref<1x50x64xf32, #tpu.memory_space<hbm>>
          %dma_wait3A_343 = arith.constant 0 : i32
          %dma_wait3A_344 = arith.constant 0 : i32
          %dma_wait3A_345 = tpu.memref_slice %arg4[%add3A_339, %dma_wait3A_343, %dma_wait3A_344] : memref<16384x50x64xf32, #tpu.memory_space<hbm>> -> memref<1x50x64xf32, #tpu.memory_space<hbm>>
          tpu.wait_dma2 semaphore(%arg28 : memref<!tpu.dma_semaphore, #tpu.memory_space<semaphore_mem>>) src(%arg12 : memref<1x50x64xf32, #tpu.memory_space<vmem>>) dst(%dma_wait3A_345 : memref<1x50x64xf32, #tpu.memory_space<hbm>>)
        } else {
        }
        %dma_start3A_331 = arith.constant 0 : i32
        %dma_start3A_332 = tpu.memref_slice %arg5[%sub3A_307, %dma_start3A_331] : memref<512x50xi32, #tpu.memory_space<vmem>> -> memref<1x50xi32, #tpu.memory_space<vmem>>
        %dma_start3A_333 = arith.constant 0 : i32
        %dma_start3A_334 = arith.constant 0 : i32
        %dma_start3A_335 = arith.constant 0 : i32
        %dma_start3A_336 = tpu.memref_slice %arg2[%dma_start3A_333, %dma_start3A_334, %dma_start3A_335] : memref<1x1000000x64xf32, #tpu.memory_space<hbm>> -> memref<1x1000000x64xf32, #tpu.memory_space<hbm>>
        tpu.enqueue_indirect_dma source(%dma_start3A_336 : memref<1x1000000x64xf32, #tpu.memory_space<hbm>>) target(%arg12 : memref<1x50x64xf32, #tpu.memory_space<vmem>>) offsets(%dma_start3A_332 : memref<1x50xi32, #tpu.memory_space<vmem>>) semaphore(%arg20 : memref<!tpu.dma_semaphore, #tpu.memory_space<semaphore_mem>>)
      } else {
      }
      %dma_wait3A_313 = arith.constant 0 : i32
      %dma_wait3A_314 = tpu.memref_slice %arg5[%add3A_303, %dma_wait3A_313] : memref<512x50xi32, #tpu.memory_space<vmem>> -> memref<1x50xi32, #tpu.memory_space<vmem>>
      %dma_wait3A_315 = arith.constant 0 : i32
      %dma_wait3A_316 = arith.constant 0 : i32
      %dma_wait3A_317 = arith.constant 0 : i32
      %dma_wait3A_318 = tpu.memref_slice %arg2[%dma_wait3A_315, %dma_wait3A_316, %dma_wait3A_317] : memref<1x1000000x64xf32, #tpu.memory_space<hbm>> -> memref<1x1000000x64xf32, #tpu.memory_space<hbm>>
      tpu.wait_indirect_dma semaphore(%arg21 : memref<!tpu.dma_semaphore, #tpu.memory_space<semaphore_mem>>) src(%dma_wait3A_318 : memref<1x1000000x64xf32, #tpu.memory_space<hbm>>) dst(%arg13 : memref<1x50x64xf32, #tpu.memory_space<vmem>>)
      %add3A_319 = arith.addi %mul3A_2, %add3A_303 : i32
      %dma_start3A_320 = arith.constant 0 : i32
      %dma_start3A_321 = arith.constant 0 : i32
      %dma_start3A_322 = tpu.memref_slice %arg4[%add3A_319, %dma_start3A_320, %dma_start3A_321] : memref<16384x50x64xf32, #tpu.memory_space<hbm>> -> memref<1x50x64xf32, #tpu.memory_space<hbm>>
      %dma_start3A_323 = arith.constant 0 : i32
      %dma_start3A_324 = arith.constant 0 : i32
      %dma_start3A_325 = tpu.memref_slice %arg4[%add3A_319, %dma_start3A_323, %dma_start3A_324] : memref<16384x50x64xf32, #tpu.memory_space<hbm>> -> memref<1x50x64xf32, #tpu.memory_space<hbm>>
      tpu.enqueue_dma source(%arg13 : memref<1x50x64xf32, #tpu.memory_space<vmem>>) target(%dma_start3A_325 : memref<1x50x64xf32, #tpu.memory_space<hbm>>) target_semaphore(%arg29 : memref<!tpu.dma_semaphore, #tpu.memory_space<semaphore_mem>>)
      %scan3A_326 = arith.constant 0 : i32
      scf.yield %scan3A_326 : i32
    }
    %scan3A_56 = arith.constant 64 : i32
    %add3A_57 = arith.constant 504 : i32
    %add3A_58 = arith.addi %mul3A_2, %add3A_57 : i32
    %dma_wait3A = arith.constant 0 : i32
    %dma_wait3A_59 = arith.constant 0 : i32
    %dma_wait3A_60 = tpu.memref_slice %arg4[%add3A_58, %dma_wait3A, %dma_wait3A_59] : memref<16384x50x64xf32, #tpu.memory_space<hbm>> -> memref<1x50x64xf32, #tpu.memory_space<hbm>>
    %dma_wait3A_61 = arith.constant 0 : i32
    %dma_wait3A_62 = arith.constant 0 : i32
    %dma_wait3A_63 = tpu.memref_slice %arg4[%add3A_58, %dma_wait3A_61, %dma_wait3A_62] : memref<16384x50x64xf32, #tpu.memory_space<hbm>> -> memref<1x50x64xf32, #tpu.memory_space<hbm>>
    tpu.wait_dma2 semaphore(%arg22 : memref<!tpu.dma_semaphore, #tpu.memory_space<semaphore_mem>>) src(%arg6 : memref<1x50x64xf32, #tpu.memory_space<vmem>>) dst(%dma_wait3A_63 : memref<1x50x64xf32, #tpu.memory_space<hbm>>)
    %add3A_64 = arith.constant 505 : i32
    %add3A_65 = arith.addi %mul3A_2, %add3A_64 : i32
    %dma_wait3A_66 = arith.constant 0 : i32
    %dma_wait3A_67 = arith.constant 0 : i32
    %dma_wait3A_68 = tpu.memref_slice %arg4[%add3A_65, %dma_wait3A_66, %dma_wait3A_67] : memref<16384x50x64xf32, #tpu.memory_space<hbm>> -> memref<1x50x64xf32, #tpu.memory_space<hbm>>
    %dma_wait3A_69 = arith.constant 0 : i32
    %dma_wait3A_70 = arith.constant 0 : i32
    %dma_wait3A_71 = tpu.memref_slice %arg4[%add3A_65, %dma_wait3A_69, %dma_wait3A_70] : memref<16384x50x64xf32, #tpu.memory_space<hbm>> -> memref<1x50x64xf32, #tpu.memory_space<hbm>>
    tpu.wait_dma2 semaphore(%arg23 : memref<!tpu.dma_semaphore, #tpu.memory_space<semaphore_mem>>) src(%arg7 : memref<1x50x64xf32, #tpu.memory_space<vmem>>) dst(%dma_wait3A_71 : memref<1x50x64xf32, #tpu.memory_space<hbm>>)
    %add3A_72 = arith.constant 506 : i32
    %add3A_73 = arith.addi %mul3A_2, %add3A_72 : i32
    %dma_wait3A_74 = arith.constant 0 : i32
    %dma_wait3A_75 = arith.constant 0 : i32
    %dma_wait3A_76 = tpu.memref_slice %arg4[%add3A_73, %dma_wait3A_74, %dma_wait3A_75] : memref<16384x50x64xf32, #tpu.memory_space<hbm>> -> memref<1x50x64xf32, #tpu.memory_space<hbm>>
    %dma_wait3A_77 = arith.constant 0 : i32
    %dma_wait3A_78 = arith.constant 0 : i32
    %dma_wait3A_79 = tpu.memref_slice %arg4[%add3A_73, %dma_wait3A_77, %dma_wait3A_78] : memref<16384x50x64xf32, #tpu.memory_space<hbm>> -> memref<1x50x64xf32, #tpu.memory_space<hbm>>
    tpu.wait_dma2 semaphore(%arg24 : memref<!tpu.dma_semaphore, #tpu.memory_space<semaphore_mem>>) src(%arg8 : memref<1x50x64xf32, #tpu.memory_space<vmem>>) dst(%dma_wait3A_79 : memref<1x50x64xf32, #tpu.memory_space<hbm>>)
    %add3A_80 = arith.constant 507 : i32
    %add3A_81 = arith.addi %mul3A_2, %add3A_80 : i32
    %dma_wait3A_82 = arith.constant 0 : i32
    %dma_wait3A_83 = arith.constant 0 : i32
    %dma_wait3A_84 = tpu.memref_slice %arg4[%add3A_81, %dma_wait3A_82, %dma_wait3A_83] : memref<16384x50x64xf32, #tpu.memory_space<hbm>> -> memref<1x50x64xf32, #tpu.memory_space<hbm>>
    %dma_wait3A_85 = arith.constant 0 : i32
    %dma_wait3A_86 = arith.constant 0 : i32
    %dma_wait3A_87 = tpu.memref_slice %arg4[%add3A_81, %dma_wait3A_85, %dma_wait3A_86] : memref<16384x50x64xf32, #tpu.memory_space<hbm>> -> memref<1x50x64xf32, #tpu.memory_space<hbm>>
    tpu.wait_dma2 semaphore(%arg25 : memref<!tpu.dma_semaphore, #tpu.memory_space<semaphore_mem>>) src(%arg9 : memref<1x50x64xf32, #tpu.memory_space<vmem>>) dst(%dma_wait3A_87 : memref<1x50x64xf32, #tpu.memory_space<hbm>>)
    %add3A_88 = arith.constant 508 : i32
    %add3A_89 = arith.addi %mul3A_2, %add3A_88 : i32
    %dma_wait3A_90 = arith.constant 0 : i32
    %dma_wait3A_91 = arith.constant 0 : i32
    %dma_wait3A_92 = tpu.memref_slice %arg4[%add3A_89, %dma_wait3A_90, %dma_wait3A_91] : memref<16384x50x64xf32, #tpu.memory_space<hbm>> -> memref<1x50x64xf32, #tpu.memory_space<hbm>>
    %dma_wait3A_93 = arith.constant 0 : i32
    %dma_wait3A_94 = arith.constant 0 : i32
    %dma_wait3A_95 = tpu.memref_slice %arg4[%add3A_89, %dma_wait3A_93, %dma_wait3A_94] : memref<16384x50x64xf32, #tpu.memory_space<hbm>> -> memref<1x50x64xf32, #tpu.memory_space<hbm>>
    tpu.wait_dma2 semaphore(%arg26 : memref<!tpu.dma_semaphore, #tpu.memory_space<semaphore_mem>>) src(%arg10 : memref<1x50x64xf32, #tpu.memory_space<vmem>>) dst(%dma_wait3A_95 : memref<1x50x64xf32, #tpu.memory_space<hbm>>)
    %add3A_96 = arith.constant 509 : i32
    %add3A_97 = arith.addi %mul3A_2, %add3A_96 : i32
    %dma_wait3A_98 = arith.constant 0 : i32
    %dma_wait3A_99 = arith.constant 0 : i32
    %dma_wait3A_100 = tpu.memref_slice %arg4[%add3A_97, %dma_wait3A_98, %dma_wait3A_99] : memref<16384x50x64xf32, #tpu.memory_space<hbm>> -> memref<1x50x64xf32, #tpu.memory_space<hbm>>
    %dma_wait3A_101 = arith.constant 0 : i32
    %dma_wait3A_102 = arith.constant 0 : i32
    %dma_wait3A_103 = tpu.memref_slice %arg4[%add3A_97, %dma_wait3A_101, %dma_wait3A_102] : memref<16384x50x64xf32, #tpu.memory_space<hbm>> -> memref<1x50x64xf32, #tpu.memory_space<hbm>>
    tpu.wait_dma2 semaphore(%arg27 : memref<!tpu.dma_semaphore, #tpu.memory_space<semaphore_mem>>) src(%arg11 : memref<1x50x64xf32, #tpu.memory_space<vmem>>) dst(%dma_wait3A_103 : memref<1x50x64xf32, #tpu.memory_space<hbm>>)
    %add3A_104 = arith.constant 510 : i32
    %add3A_105 = arith.addi %mul3A_2, %add3A_104 : i32
    %dma_wait3A_106 = arith.constant 0 : i32
    %dma_wait3A_107 = arith.constant 0 : i32
    %dma_wait3A_108 = tpu.memref_slice %arg4[%add3A_105, %dma_wait3A_106, %dma_wait3A_107] : memref<16384x50x64xf32, #tpu.memory_space<hbm>> -> memref<1x50x64xf32, #tpu.memory_space<hbm>>
    %dma_wait3A_109 = arith.constant 0 : i32
    %dma_wait3A_110 = arith.constant 0 : i32
    %dma_wait3A_111 = tpu.memref_slice %arg4[%add3A_105, %dma_wait3A_109, %dma_wait3A_110] : memref<16384x50x64xf32, #tpu.memory_space<hbm>> -> memref<1x50x64xf32, #tpu.memory_space<hbm>>
    tpu.wait_dma2 semaphore(%arg28 : memref<!tpu.dma_semaphore, #tpu.memory_space<semaphore_mem>>) src(%arg12 : memref<1x50x64xf32, #tpu.memory_space<vmem>>) dst(%dma_wait3A_111 : memref<1x50x64xf32, #tpu.memory_space<hbm>>)
    %add3A_112 = arith.constant 511 : i32
    %add3A_113 = arith.addi %mul3A_2, %add3A_112 : i32
    %dma_wait3A_114 = arith.constant 0 : i32
    %dma_wait3A_115 = arith.constant 0 : i32
    %dma_wait3A_116 = tpu.memref_slice %arg4[%add3A_113, %dma_wait3A_114, %dma_wait3A_115] : memref<16384x50x64xf32, #tpu.memory_space<hbm>> -> memref<1x50x64xf32, #tpu.memory_space<hbm>>
    %dma_wait3A_117 = arith.constant 0 : i32
    %dma_wait3A_118 = arith.constant 0 : i32
    %dma_wait3A_119 = tpu.memref_slice %arg4[%add3A_113, %dma_wait3A_117, %dma_wait3A_118] : memref<16384x50x64xf32, #tpu.memory_space<hbm>> -> memref<1x50x64xf32, #tpu.memory_space<hbm>>
    tpu.wait_dma2 semaphore(%arg29 : memref<!tpu.dma_semaphore, #tpu.memory_space<semaphore_mem>>) src(%arg13 : memref<1x50x64xf32, #tpu.memory_space<vmem>>) dst(%dma_wait3A_119 : memref<1x50x64xf32, #tpu.memory_space<hbm>>)
    return
  }
}

</mosaic_0001>

<sc_bundles>
// kernel: kernel.3.cloned.1.call-start
scs
__scs_entry_jumppad:
0x0: {  	(pc) =	sbr.rel $0x88, $3  }
0x1: {  	(tag) =	ssettag $0x0;
	lr =	simm.s32 $0x1  }
0x2: {  	[smem:$0x3F9F] =	sst lr;
	_ =	strace $0xD0000000  }
0x3: {  	_ = 	snop  }
0x4: {  	_ = 	snop  }
0x5: {  	_ = 	snop  }
0x6: {  	_ = 	snop  }
0x7: {  	_ = 	snop  }
__scs_overlays_trampoline_lowered:
0x8: {  	[smem:$0x3FAE] =	sst s0  }
0x9: {  	[smem:$0x3FAF] =	sst s1  }
0xa: {  	[smem:$0x3FB0] =	sst s2  }
0xb: {  	[smem:$0x3FB1] =	sst s3  }
0xc: {  	[smem:$0x3FB2] =	sst s4  }
0xd: {  	[smem:$0x3FB3] =	sst s5  }
0xe: {  	[smem:$0x3FB4] =	sst s6  }
0xf: {  	[smem:$0x3FB5] =	sst s7  }
0x10: {  	[smem:$0x3FB6] =	sst s8  }
0x11: {  	[smem:$0x3FB7] =	sst s9;
	s0 =	simm.s32 @!p0 $0x0  }
0x12: {  	s1 =	sld [smem:$0x3F9D];
	s0 =	simm.s32 @p0 $0x1  }
0x13: {  	[smem:$0x3FB8] =	sst s0;
	s0 =	simm.s32 @!p1 $0x0  }
0x14: {  	s2 =	sld [smem:$0x3F9C];
	s0 =	simm.s32 @p1 $0x1  }
0x15: {  	[smem:$0x3FB9] =	sst s0;
	s0 =	simm.s32 @!p2 $0x0  }
0x16: {  	s3 =	sld [smem:$0x3FDB];
	s0 =	simm.s32 @p2 $0x1  }
0x17: {  	s4 =	simm.s32 $0x1BF5;
	[smem:$0x3FBB] =	sst s0  }
0x18: {  	s0 =	sld [smem:$0x3F9E];
	_ =	swait.ge [sflag:s4], $0x0  }
0x19: {  	s7 =	sld [smem:$0x3F9F]  }
0x1a: {  	s8 =	sadd.s32 $0xFFFFE003, lr  }
0x1b: {  	s9 =	sadd.s32 $0xFFFFFEF7, lr;
	s5 =	simm.s32 $0xFFFFFFFF;
	p2 =	slt.u32 s8, $0xFFFFF086  }
0x1c: {  	p1 =	slt.u32 s9, $0xF7A;
	s5 =	simm.s32 @!p2 $0x0  }
0x1d: {  	s5 =	simm.s32 @p1 $0x1;
	p0 =	seq.s32 s7, s2  }
0x1e: {  	s7 =	smul.u32 @!p0 $0xF7A, s2;
	p2 =	seq.s32 @!p0 s5, $0x0  }
0x1f: {  	s9 =	smul.u32 $0xF7A, s1;
	s8 =	simm.s32 @!p0 $0x1BF5;
	p2 =	por !p2, p0  }
0x20: {  	[sflag:s8] =	ssyncset.s32 @!p0 $0xFFFFF086;
	s6 =	sadd.s32 @!p0 s3, s7;
	s7 =	simm.s32 @!p0 $0x108  }
0x21: {  	s3 =	sadd.s32 s3, s9;
	s6 =	sadd.s32 @!p0 $0x88, s6;
	s7 =	simm.s32 @p2 $0x1082  }
0x22: {  	[simem:s7], [sflag:s8] =	dma.local @!p0 [hbm:s6], $0xF7A  }
0x23: {  	s9 =	sor.u32 $0xD0000000, s2;
	s6 =	simm.s32 $0x108;
	_ =	swait.ge @!p0 [sflag:s8], $0x0  }
0x24: {  	s3 =	sadd.s32 $0x88, s3;
	s6 =	simm.s32 @!p1 $0x1082;
	[sflag:s4] =	ssyncset.s32 $0xFFFFF086  }
0x25: {  	[simem:s6], [sflag:s4] =	dma.local [hbm:s3], $0xF7A  }
0x26: {  	[smem:$0x3F9F] =	sst s1;
	(tag) =	ssettag s2;
	_ =	strace s9  }
0x27: {  	s1 =	sld [smem:$0x3FAF]  }
0x28: {  	s2 =	sld [smem:$0x3FB0]  }
0x29: {  	s4 =	sld [smem:$0x3FB2]  }
0x2a: {  	p0 =	seq.s32 s5, $0x0;
	s5 =	sld [smem:$0x3FB3]  }
0x2b: {  	s6 =	sld [smem:$0x3FB4]  }
0x2c: {  	s7 =	sld [smem:$0x3FB5]  }
0x2d: {  	s3 =	simm.s32 $0x108;
	s8 =	sld [smem:$0x3FB6]  }
0x2e: {  	s3 =	simm.s32 @!p0 $0x1082;
	s9 =	sld [smem:$0x3FB7]  }
0x2f: {  	lr =	sadd.s32 s0, s3;
	s0 =	sld [smem:$0x3FAE]  }
0x30: {  	s3 =	sld [smem:$0x3FB1]  }
0x31: {  	[smem:$0x3FBA] =	sst s10  }
0x32: {  	s10 =	sld [smem:$0x3FB8];
	_ =	sdelay $0x3  }
0x33: {  	p0 =	seq.s32 s10, $0x1;
	s10 =	sld [smem:$0x3FBA];
	_ =	sdelay $0x3  }
0x34: {  	[smem:$0x3FBA] =	sst s10  }
0x35: {  	s10 =	sld [smem:$0x3FB9];
	_ =	sdelay $0x3  }
0x36: {  	p1 =	seq.s32 s10, $0x1;
	s10 =	sld [smem:$0x3FBA];
	_ =	sdelay $0x3  }
0x37: {  	[smem:$0x3FBA] =	sst s10  }
0x38: {  	s10 =	sld [smem:$0x3FBB]  }
0x39: {  	_ = 	snop;
	(pc) =	sbr.ind lr, $3  }
0x3a: {  	_ = 	snop  }
0x3b: {  	_ = 	snop  }
0x3c: {  	p2 =	seq.s32 s10, $0x1;
	s10 =	sld [smem:$0x3FBA]  }
0x3d: {  	_ =	shalt  }
0x3e: {  	_ =	shalt  }
0x3f: {  	_ =	shalt  }
0x40: {  	_ =	shalt  }
0x41: {  	_ =	shalt  }
0x42: {  	_ =	shalt  }
0x43: {  	_ =	shalt  }
0x44: {  	_ =	shalt  }
0x45: {  	_ =	shalt  }
0x46: {  	_ =	shalt  }
0x47: {  	_ =	shalt  }
0x48: {  	_ =	shalt  }
0x49: {  	_ =	shalt  }
0x4a: {  	_ =	shalt  }
0x4b: {  	_ =	shalt  }
0x4c: {  	_ =	shalt  }
0x4d: {  	_ =	shalt  }
0x4e: {  	_ =	shalt  }
0x4f: {  	_ =	shalt  }
0x50: {  	_ =	shalt  }
0x51: {  	_ =	shalt  }
0x52: {  	_ =	shalt  }
0x53: {  	_ =	shalt  }
0x54: {  	_ =	shalt  }
0x55: {  	_ =	shalt  }
0x56: {  	_ =	shalt  }
0x57: {  	_ =	shalt  }
0x58: {  	_ =	shalt  }
0x59: {  	_ =	shalt  }
0x5a: {  	_ =	shalt  }
0x5b: {  	_ =	shalt  }
0x5c: {  	_ =	shalt  }
0x5d: {  	_ =	shalt  }
0x5e: {  	_ =	shalt  }
0x5f: {  	_ =	shalt  }
0x60: {  	_ =	shalt  }
0x61: {  	_ =	shalt  }
0x62: {  	_ =	shalt  }
0x63: {  	_ =	shalt  }
0x64: {  	_ =	shalt  }
0x65: {  	_ =	shalt  }
0x66: {  	_ =	shalt  }
0x67: {  	_ =	shalt  }
0x68: {  	_ =	shalt  }
0x69: {  	_ =	shalt  }
0x6a: {  	_ =	shalt  }
0x6b: {  	_ =	shalt  }
0x6c: {  	_ =	shalt  }
0x6d: {  	_ =	shalt  }
0x6e: {  	_ =	shalt  }
0x6f: {  	_ =	shalt  }
0x70: {  	_ =	shalt  }
0x71: {  	_ =	shalt  }
0x72: {  	_ =	shalt  }
0x73: {  	_ =	shalt  }
0x74: {  	_ =	shalt  }
0x75: {  	_ =	shalt  }
0x76: {  	_ =	shalt  }
0x77: {  	_ =	shalt  }
0x78: {  	_ =	shalt  }
0x79: {  	_ =	shalt  }
0x7a: {  	_ =	shalt  }
0x7b: {  	_ =	shalt  }
0x7c: {  	_ =	shalt  }
0x7d: {  	_ =	shalt  }
0x7e: {  	_ =	shalt  }
0x7f: {  	_ =	shalt  }
0x80: {  	_ =	shalt  }
0x81: {  	_ =	shalt  }
0x82: {  	_ =	shalt  }
0x83: {  	_ =	shalt  }
0x84: {  	_ =	shalt  }
0x85: {  	_ =	shalt  }
0x86: {  	_ =	shalt  }
0x87: {  	_ =	shalt  }
.Lfunc_end0:
.L_simem_size_0:
called_computation.1_lowered:
.L_overlay_start_0:
0x88: {  	s2 =	sld [smem:$0x3FD9]  }
0x89: {  	s3 =	sld [smem:$0x3FFE];
	_ =	sdelay $0x1  }
0x8a: {  	s1 =	srdreg.scid  }
0x8b: {  	s0 =	sand.u32 $0x1, s1  }
0x8c: {  	s17 =	sshll.u32 s0, $0xA;
	s2 =	sadd.s32 s3, s2  }
0x8d: {  	s2 =	sadd.s32 s2, s17  }
0x8e: {  	[smem:$0x3FC6] =	sst s2  }
0x8f: {  	_ = 	snop  }
0x90: {  	s2 =	sld [smem:$0x3FD0];
	(tm) =	ssettm $0x1  }
0x91: {  	s18 =	sld [smem:$0x3FFB];
	_ =	sdelay $0x3  }
0x92: {  	_ =	strace s18  }
0x93: {  	s3 =	sld [smem:$0x3FFC];
	_ =	sdelay $0x3  }
0x94: {  	_ =	strace s3  }
0x95: {  	s3 =	sld [smem:$0x3FFD];
	_ =	sdelay $0x3  }
0x96: {  	_ =	strace s3  }
0x97: {  	_ =	strace $0x8FFFFFFF  }
0x98: {  	s19 =	sld [smem:$0x3FDB];
	_ =	sdelay $0x1  }
0x99: {  	s4 =	simm.s32 $_scs_section_size  }
0x9a: {  	s5 =	simm.s32 $_size__tile_overlayer_lowered;
	s6 =	simm.s32 $_tile_overlayer_lowered  }
0x9b: {  	s22 =	simm.s32 $0x1BFF;
	s21 =	sshll.u32 s6, $0x1;
	s3 =	sadd.s32 s4, s19  }
0x9c: {  	s7 =	simm.s32 $0x0;
	s20 =	sshll.u32 s5, $0x1;
	s5 =	sadd.s32 s21, s3  }
0x9d: {  	[timem:s7], [sflag:s22] =	dma.local [hbm:s5], s20  }
0x9e: {  	_ =	swait.ge [sflag:s22], s20  }
0x9f: {  	s4 =	ssub.s32 $0x0, s20;
	[sflag:s22] =	ssyncset.done $0x0  }
0xa0: {  	[sflag:s22] =	ssyncadd.s32 s4;
	_ =	sdelay $0x1  }
0xa1: {  	s23 =	simm.s32 $0x1B8B  }
0xa2: {  	_ =	swait.ge [sflag:s23], $0x1  }
0xa3: {  	[sflag:s23] =	ssyncset.done $0x0  }
0xa4: {  	s25 =	simm.s32 $0x1B8E;
	s24 =	sld [smem:$0x3FFE];
	[sflag:s23] =	ssyncadd.s32 $0xFFFFFFFF  }
0xa5: {  	s26 =	simm.s32 $execute0_lowered;
	[smem:$0x3FD2] =	sst s25  }
0xa6: {  	s5 =	sshll.u32 s26, $0x1;
	_ =	strace $0x80000046;
	[dreg:$0x1] =	wrdreg $0xFFFFFFFF  }
0xa7: {  	s28 =	simm.s32 $_size_execute0_lowered;
	s3 =	sadd.s32 s3, s5;
	[dreg:$0x0] =	wrdreg $0x0  }
0xa8: {  	s5 =	sshll.u32 s28, $0x1;
	[dreg:$0x2] =	wrdreg s3  }
0xa9: {  	[dreg:$0x3] =	wrdreg s5  }
0xaa: {  	[dreg:$0x4] =	wrdreg $0xC0  }
0xab: {  	_ =	task [dreg:s7], $0x5FFFF  }
0xac: {  	[dreg:$0x1] =	wrdreg $0xFFFFFFFF  }
0xad: {  	[dreg:$0x0] =	wrdreg $0x60  }
0xae: {  	[dreg:$0x2] =	wrdreg s24  }
0xaf: {  	[dreg:$0x3] =	wrdreg s2  }
0xb0: {  	[dreg:$0x4] =	wrdreg $0x9  }
0xb1: {  	_ =	task.clear_ibuf [dreg:s7], $0x5FFFF;
	_ =	strace $0x90000046  }
0xb2: {  	s29 =	simm.s32 $0x9;
	_ =	strace $0x80000048  }
0xb3: {  	_ =	swait.ge [sflag:s29], $0x1  }
0xb4: {  	[sflag:s29] =	ssyncadd.s32 $0xFFFFFFFF  }
0xb5: {  	_ =	strace $0x90000048  }
0xb6: {  	_ =	sfence  }
0xb7: {  	s30 =	sld [smem:$0x0];
	_ =	sdelay $0x2  }
0xb8: {  	s31 =	sshll.u32 s1, $0xD;
	s1 =	sshrl.u32 s1, $0x2  }
0xb9: {  	s3 =	sand.u32 $0x4000, s31;
	s1 =	sadd.s32 s1, s30  }
0xba: {  	s0 =	sor.u32 s3, s0;
	s1 =	sshll.u32 s1, $0x11  }
0xbb: {  	s0 =	sor.u32 s1, s0  }
0xbc: {  	s0 =	sadd.s32 $0x8F2B, s0  }
0xbd: {  	[sflag:s0] =	ssyncadd.remote.s32 $0x1  }
0xbe: {  	_ =	sfence.sel $0xFFFF  }
0xbf: {  	[dreg:$0x0] =	wrdreg $0xFFFFFFFF;
	(pc) =	sbr.abs _section_cstart, $3  }
0xc0: {  	[dreg:$0x1] =	wrdreg $0xFFFFFFFF  }
0xc1: {  	_ =	task.clear_ibuf [dreg:s7], $0x2FFFF;
	_ =	strace $0x9FFFFFFF  }
0xc2: {  	(tm) =	ssettm $0x7FFFFFFF  }
0xc3: {  	_ =	shalt  }
tec
execute0_lowered:
.L_overlay_start_1:
0x0: {  	(tag) =	ssettag $0x1  }
0x1: {  	s0 =	srdreg.scid;
	s1 =	rddreg [dreg:$0x0]  }
0x2: {  	s8 =	stileid.u32;
	s4 =	rddreg [dreg:$0x1];
	s2 =	simm.s32 $0x0  }
0x3: {  	s13 =	simm.s32 $0x32;
	s14 =	simm.s32 $0x7000;
	s16 =	simm.s32 $0x7C80  }
0x4: {  	s18 =	simm.s32 $0x8900;
	s28 =	simm.s32 $0xC780;
	s29 =	simm.s32 $0x1  }
0x5: {  	s30 =	simm.s32 $0x2;
	s31 =	simm.s32 $0x3;
	s15 =	simm.s32 $0x6  }
0x6: {  	s17 =	simm.s32 $0x7;
	s11 =	simm.s32 $0xE;
	s12 =	simm.s32 $0xF  }
0x7: {  	s0 =	sand.u32 $0x1, s0;
	s3 =	sshll.u32 s8, $0xA;
	[smem:$0x7FF] =	sst s2  }
0x8: {  	s20 =	smul.u32 $0x64000, s8;
	s8 =	simm.s32 $0x0;
	s5 =	sshll.u32 s0, $0x9  }
0x9: {  	s6 =	ssub.s32 $0x2, s0;
	s0 =	smul.u32 $0x32000, s0;
	s3 =	sor.u32 s5, s3  }
0xa: {  	_ =	strace $0x80000047;
	s19 =	sshrl.u32 s6, $0x1;
	s5 =	smul.u32 $0x7, s3  }
0xb: {  	s24 =	sadd.s32 s20, s4;
	s20 =	simm.s32 $0x9580;
	s7 =	smul.u32 $0x190, s3  }
0xc: {  	s3 =	sadd.s32 $0xF42E00, s1;
	s0 =	sadd.s32 s0, s24;
	s24 =	simm.s32 $0xAE80  }
0xd: {  	[dreg:$0xa] =	wrdreg s0;
	s1 =	sadd.s32 s5, s1;
	s7 =	sadd.s32 s4, s7  }
0xe: {  	s0 =	simm.s32 $0x5;
	s1 =	sadd.s32 $0xA00, s1;
	[dreg:$0x3] =	wrdreg s7  }
0xf: {  	s5 =	ssub.s32 s6, s19;
	s21 =	sadd.s32 $0x31CE0, s7;
	[dreg:$0x4] =	wrdreg s1  }
0x10: {  	s19 =	simm.s32 $0x8;
	s22 =	smax.u32 s5, $0x1;
	[dreg:$0x5] =	wrdreg s21  }
.Ltmp0:
0x11: {  	s23 =	sadd.s32 $0x31B50, s7;
	[dreg:$0x6] =	wrdreg s22;
	(pc) =	sbr.rel .LBB2_1-.Ltmp0, $4  }
0x12: {  	s25 =	sadd.s32 $0x31830, s7;
	s26 =	sadd.s32 $0x319C0, s7;
	[dreg:$0x7] =	wrdreg s23  }
0x13: {  	s5 =	simm.s32 $0xC;
	s7 =	simm.s32 $0xD;
	[dreg:$0x8] =	wrdreg s25  }
0x14: {  	[dreg:$0x9] =	wrdreg s26;
	s22 =	simm.s32 $0xA200;
	s26 =	simm.s32 $0xBB00  }
0x15: {  	s1 =	simm.s32 $0x4;
	s23 =	simm.s32 $0xA;
	s25 =	simm.s32 $0xB  }
.LBB2_6:
0x16: {  	s4 =	simm.s32 $0x9  }
0x17: {  	_ =	swait.ge [sflag:s4], $0xC80  }
0x18: {  	[sflag:s4] =	ssyncset.done $0x0  }
0x19: {  	[sflag:s4] =	ssyncadd.s32 $0xFFFFF380  }
0x1a: {  	_ =	swait.ge [sflag:s23], $0xC80  }
0x1b: {  	[sflag:s23] =	ssyncset.done $0x0  }
0x1c: {  	[sflag:s23] =	ssyncadd.s32 $0xFFFFF380  }
0x1d: {  	_ =	swait.ge [sflag:s25], $0xC80  }
0x1e: {  	[sflag:s25] =	ssyncset.done $0x0  }
0x1f: {  	[sflag:s25] =	ssyncadd.s32 $0xFFFFF380  }
0x20: {  	_ =	swait.ge [sflag:s5], $0xC80  }
0x21: {  	[sflag:s5] =	ssyncset.done $0x0  }
0x22: {  	[sflag:s5] =	ssyncadd.s32 $0xFFFFF380  }
0x23: {  	_ =	swait.ge [sflag:s7], $0xC80  }
0x24: {  	[sflag:s7] =	ssyncset.done $0x0  }
0x25: {  	[sflag:s7] =	ssyncadd.s32 $0xFFFFF380  }
0x26: {  	_ =	swait.ge [sflag:s11], $0xC80  }
0x27: {  	[sflag:s11] =	ssyncset.done $0x0  }
0x28: {  	[sflag:s11] =	ssyncadd.s32 $0xFFFFF380  }
0x29: {  	_ =	swait.ge [sflag:s12], $0xC80  }
0x2a: {  	[sflag:s12] =	ssyncset.done $0x0  }
0x2b: {  	s6 =	simm.s32 $0x10;
	[sflag:s12] =	ssyncadd.s32 $0xFFFFF380  }
0x2c: {  	_ =	swait.ge [sflag:s6], $0xC80  }
0x2d: {  	s8 =	rddreg [dreg:$0xb]  }
0x2e: {  	s21 =	rddreg [dreg:$0x6];
	s8 =	sadd.s32 $0x1, s8  }
0x2f: {  	p0 =	sne.s32 s8, s21  }
.Ltmp1:
0x30: {  	_ = 	snop;
	(pc) =	sbr.rel @!p0 .LBB2_7-.Ltmp1, $3  }
0x31: {  	_ =	sdelay $0x1  }
0x32: {  	[sflag:s6] =	ssyncset.done $0x0  }
0x33: {  	[sflag:s6] =	ssyncadd.s32 $0xFFFFF380  }
.LBB2_1:
0x34: {  	[dreg:$0xb] =	wrdreg s8  }
0x35: {  	s4 =	rddreg [dreg:$0x4];
	s10 =	simm.s32 $0x11  }
0x36: {  	[tilespmem:s2], [sflag:$0x11] =	stream.linear.gather [hbm4b:s4+s2], $0x7000, $0x38;
	[tilespmem:$0xD400] =	vst v63  }
0x37: {  	_ =	swait.ge [sflag:s10], $0x7000  }
0x38: {  	[sflag:s10] =	ssyncset.done $0x0  }
0x39: {  	[sflag:s10] =	ssyncadd.s32 $0xFFFF9000  }
0x3a: {  	[tilespmem:s14], [sflag:$0x1] =	stream.indirect.gather [hbm4b:s3+s13], $0x40, s2, s13, $0xb8;
	[tilespmem:$0xD400] =	vst v63  }
0x3b: {  	s21 =	simm.s32 $0x38  }
0x3c: {  	[tilespmem:s16], [sflag:$0x2] =	stream.indirect.gather [hbm4b:s3+s13], $0x40, s21, s13, $0xb8;
	[tilespmem:$0xD400] =	vst v63  }
0x3d: {  	s6 =	simm.s32 $0x70  }
0x3e: {  	[tilespmem:s18], [sflag:$0x3] =	stream.indirect.gather [hbm4b:s3+s13], $0x40, s6, s13, $0xb8;
	[tilespmem:$0xD400] =	vst v63  }
0x3f: {  	s8 =	simm.s32 $0xA8  }
0x40: {  	[tilespmem:s20], [sflag:$0x4] =	stream.indirect.gather [hbm4b:s3+s13], $0x40, s8, s13, $0xb8;
	[tilespmem:$0xD400] =	vst v63  }
0x41: {  	s9 =	simm.s32 $0xE0  }
0x42: {  	[tilespmem:s22], [sflag:$0x5] =	stream.indirect.gather [hbm4b:s3+s13], $0x40, s9, s13, $0xb8;
	[tilespmem:$0xD400] =	vst v63  }
.Ltmp2:
0x43: {  	s10 =	simm.s32 $0x118;
	(pc) =	sbr.rel .LBB2_2-.Ltmp2, $4  }
0x44: {  	[tilespmem:s24], [sflag:$0x6] =	stream.indirect.gather [hbm4b:s3+s13], $0x40, s10, s13, $0xb8;
	[tilespmem:$0xD400] =	vst v63  }
0x45: {  	s21 =	simm.s32 $0x150  }
0x46: {  	[tilespmem:s26], [sflag:$0x7] =	stream.indirect.gather [hbm4b:s3+s13], $0x40, s21, s13, $0xb8;
	[tilespmem:$0xD400] =	vst v63  }
0x47: {  	s4 =	simm.s32 $0x0;
	s21 =	rddreg [dreg:$0xa]  }
.LBB2_4:
0x48: {  	_ =	swait.ge [sflag:s31], $0xC80  }
0x49: {  	[sflag:s31] =	ssyncset.done $0x0;
	s6 =	rddreg [dreg:$0x3]  }
0x4a: {  	[sflag:s31] =	ssyncadd.s32 $0xFFFFF380;
	s6 =	sadd.s32 $0x316A0, s6  }
0x4b: {  	[hbm4b:s6+s2] =	stream.linear.scatter [tilespmem:s18], [sflag:$0xB], $0xC80, $0x38;
	[tilespmem:$0xD400] =	vst v63  }
0x4c: {  	_ =	swait.ge [sflag:s1], $0xC80  }
0x4d: {  	[sflag:s1] =	ssyncset.done $0x0  }
0x4e: {  	s10 =	rddreg [dreg:$0x8];
	[sflag:s1] =	ssyncadd.s32 $0xFFFFF380  }
0x4f: {  	[hbm4b:s10+s2] =	stream.linear.scatter [tilespmem:s20], [sflag:$0xC], $0xC80, $0x38;
	[tilespmem:$0xD400] =	vst v63  }
0x50: {  	_ =	swait.ge [sflag:s0], $0xC80  }
0x51: {  	[sflag:s0] =	ssyncset.done $0x0  }
0x52: {  	s8 =	rddreg [dreg:$0x9];
	[sflag:s0] =	ssyncadd.s32 $0xFFFFF380  }
0x53: {  	[hbm4b:s8+s2] =	stream.linear.scatter [tilespmem:s22], [sflag:$0xD], $0xC80, $0x38;
	[tilespmem:$0xD400] =	vst v63  }
0x54: {  	_ =	swait.ge [sflag:s15], $0xC80  }
0x55: {  	[sflag:s15] =	ssyncset.done $0x0  }
0x56: {  	s9 =	rddreg [dreg:$0x7];
	[sflag:s15] =	ssyncadd.s32 $0xFFFFF380  }
0x57: {  	[hbm4b:s9+s2] =	stream.linear.scatter [tilespmem:s24], [sflag:$0xE], $0xC80, $0x38;
	[tilespmem:$0xD400] =	vst v63  }
0x58: {  	_ =	swait.ge [sflag:s17], $0xC80  }
0x59: {  	[sflag:s17] =	ssyncset.done $0x0  }
0x5a: {  	s10 =	rddreg [dreg:$0x5];
	[sflag:s17] =	ssyncadd.s32 $0xFFFFF380  }
0x5b: {  	[hbm4b:s10+s2] =	stream.linear.scatter [tilespmem:s26], [sflag:$0xF], $0xC80, $0x38;
	[tilespmem:$0xD400] =	vst v63  }
.LBB2_5:
0x5c: {  	s4 =	sadd.s32 $0x700, s4  }
0x5d: {  	p0 =	sne.s32 s4, $0x1C000  }
.Ltmp3:
0x5e: {  	_ = 	snop;
	(pc) =	sbr.rel @!p0 .LBB2_6-.Ltmp3, $4  }
0x5f: {  	_ =	swait.ge [sflag:s19], $0xC80  }
0x60: {  	[sflag:s19] =	ssyncset.done $0x0  }
0x61: {  	s6 =	sadd.s32 $0xAF0, s21;
	s21 =	sadd.s32 $0xC80, s21;
	[sflag:s19] =	ssyncadd.s32 $0xFFFFF380  }
0x62: {  	[hbm4b:s6+s2] =	stream.linear.scatter [tilespmem:s28], [sflag:$0x10], $0xC80, $0x38;
	[tilespmem:$0xD400] =	vst v63  }
.LBB2_2:
0x63: {  	p0 =	seq.s32 s4, $0x0  }
0x64: {  	s8 =	simm.s32 @!p0 $0x10  }
0x65: {  	_ =	swait.ge @!p0 [sflag:s8], $0xC80  }
0x66: {  	s6 =	sshra.s32 s4, $0x2;
	[sflag:s8] =	ssyncset.done @!p0 $0x0  }
0x67: {  	s9 =	sadd.s32 $0x188, s6;
	[sflag:s8] =	ssyncadd.s32 @!p0 $0xFFFFF380  }
0x68: {  	[tilespmem:s28], [sflag:$0x8] =	stream.indirect.gather [hbm4b:s3+s13], $0x40, s9, s13, $0xb8;
	[tilespmem:$0xD400] =	vst v63  }
0x69: {  	_ =	swait.ge [sflag:s29], $0xC80  }
0x6a: {  	p0 =	seq.s32 s4, $0x1B900;
	[sflag:s29] =	ssyncset.done $0x0  }
0x6b: {  	s8 =	simm.s32 @!p0 $0x9;
	[sflag:s29] =	ssyncadd.s32 $0xFFFFF380  }
0x6c: {  	[hbm4b:s21+s2] =	stream.linear.scatter [tilespmem:s14], [sflag:$0x9], $0xC80, $0x38;
	[tilespmem:$0xD400] =	vst v63  }
0x6d: {  	_ =	swait.ge @!p0 [sflag:s8], $0xC80  }
0x6e: {  	[sflag:s8] =	ssyncset.done @!p0 $0x0  }
0x6f: {  	[sflag:s8] =	ssyncadd.s32 @!p0 $0xFFFFF380;
	s8 =	sshra.s32 @!p0 s4, $0x2  }
0x70: {  	s9 =	simm.s32 @!p0 $0x32;
	s10 =	simm.s32 @!p0 $0x7000;
	s8 =	sadd.s32 @!p0 $0x1C0, s8  }
0x71: {  	[tilespmem:s10], [sflag:$0x1] =	stream.indirect.gather @!p0 [hbm4b:s3+s9], $0x40, s8, s9, $0xb8;
	[tilespmem:$0xD400] =	vst v63  }
.Ltmp4:
0x72: {  	_ = 	snop;
	(pc) =	sbr.rel @p0 .LBB2_4-.Ltmp4, $4  }
0x73: {  	_ =	swait.ge [sflag:s30], $0xC80  }
0x74: {  	[sflag:s30] =	ssyncset.done $0x0  }
0x75: {  	s10 =	sadd.s32 $0x190, s21;
	[sflag:s30] =	ssyncadd.s32 $0xFFFFF380  }
0x76: {  	[hbm4b:s10+s2] =	stream.linear.scatter [tilespmem:s16], [sflag:$0xA], $0xC80, $0x38;
	[tilespmem:$0xD400] =	vst v63  }
0x77: {  	_ =	swait.ge [sflag:s23], $0xC80  }
0x78: {  	[sflag:s23] =	ssyncset.done $0x0  }
0x79: {  	s8 =	sadd.s32 $0x1F8, s6;
	[sflag:s23] =	ssyncadd.s32 $0xFFFFF380  }
0x7a: {  	[tilespmem:s16], [sflag:$0x2] =	stream.indirect.gather [hbm4b:s3+s13], $0x40, s8, s13, $0xb8;
	[tilespmem:$0xD400] =	vst v63  }
0x7b: {  	_ =	swait.ge [sflag:s31], $0xC80  }
0x7c: {  	[sflag:s31] =	ssyncset.done $0x0  }
0x7d: {  	s9 =	sadd.s32 $0x320, s21;
	[sflag:s31] =	ssyncadd.s32 $0xFFFFF380  }
0x7e: {  	[hbm4b:s9+s2] =	stream.linear.scatter [tilespmem:s18], [sflag:$0xB], $0xC80, $0x38;
	[tilespmem:$0xD400] =	vst v63  }
0x7f: {  	_ =	swait.ge [sflag:s25], $0xC80  }
0x80: {  	[sflag:s25] =	ssyncset.done $0x0  }
0x81: {  	s10 =	sadd.s32 $0x230, s6;
	[sflag:s25] =	ssyncadd.s32 $0xFFFFF380  }
0x82: {  	[tilespmem:s18], [sflag:$0x3] =	stream.indirect.gather [hbm4b:s3+s13], $0x40, s10, s13, $0xb8;
	[tilespmem:$0xD400] =	vst v63  }
0x83: {  	_ =	swait.ge [sflag:s1], $0xC80  }
0x84: {  	[sflag:s1] =	ssyncset.done $0x0  }
0x85: {  	s9 =	sadd.s32 $0x4B0, s21;
	[sflag:s1] =	ssyncadd.s32 $0xFFFFF380  }
0x86: {  	[hbm4b:s9+s2] =	stream.linear.scatter [tilespmem:s20], [sflag:$0xC], $0xC80, $0x38;
	[tilespmem:$0xD400] =	vst v63  }
0x87: {  	_ =	swait.ge [sflag:s5], $0xC80  }
0x88: {  	[sflag:s5] =	ssyncset.done $0x0  }
0x89: {  	s10 =	sadd.s32 $0x268, s6;
	[sflag:s5] =	ssyncadd.s32 $0xFFFFF380  }
0x8a: {  	[tilespmem:s20], [sflag:$0x4] =	stream.indirect.gather [hbm4b:s3+s13], $0x40, s10, s13, $0xb8;
	[tilespmem:$0xD400] =	vst v63  }
0x8b: {  	_ =	swait.ge [sflag:s0], $0xC80  }
0x8c: {  	[sflag:s0] =	ssyncset.done $0x0  }
0x8d: {  	s9 =	sadd.s32 $0x640, s21;
	[sflag:s0] =	ssyncadd.s32 $0xFFFFF380  }
0x8e: {  	[hbm4b:s9+s2] =	stream.linear.scatter [tilespmem:s22], [sflag:$0xD], $0xC80, $0x38;
	[tilespmem:$0xD400] =	vst v63  }
0x8f: {  	_ =	swait.ge [sflag:s7], $0xC80  }
0x90: {  	[sflag:s7] =	ssyncset.done $0x0  }
0x91: {  	s10 =	sadd.s32 $0x2A0, s6;
	[sflag:s7] =	ssyncadd.s32 $0xFFFFF380  }
0x92: {  	[tilespmem:s22], [sflag:$0x5] =	stream.indirect.gather [hbm4b:s3+s13], $0x40, s10, s13, $0xb8;
	[tilespmem:$0xD400] =	vst v63  }
0x93: {  	_ =	swait.ge [sflag:s15], $0xC80  }
0x94: {  	[sflag:s15] =	ssyncset.done $0x0  }
0x95: {  	s9 =	sadd.s32 $0x7D0, s21;
	[sflag:s15] =	ssyncadd.s32 $0xFFFFF380  }
0x96: {  	[hbm4b:s9+s2] =	stream.linear.scatter [tilespmem:s24], [sflag:$0xE], $0xC80, $0x38;
	[tilespmem:$0xD400] =	vst v63  }
0x97: {  	_ =	swait.ge [sflag:s11], $0xC80  }
0x98: {  	[sflag:s11] =	ssyncset.done $0x0  }
0x99: {  	s10 =	sadd.s32 $0x2D8, s6;
	[sflag:s11] =	ssyncadd.s32 $0xFFFFF380  }
0x9a: {  	[tilespmem:s24], [sflag:$0x6] =	stream.indirect.gather [hbm4b:s3+s13], $0x40, s10, s13, $0xb8;
	[tilespmem:$0xD400] =	vst v63  }
0x9b: {  	_ =	swait.ge [sflag:s17], $0xC80  }
0x9c: {  	[sflag:s17] =	ssyncset.done $0x0  }
0x9d: {  	s9 =	sadd.s32 $0x960, s21;
	[sflag:s17] =	ssyncadd.s32 $0xFFFFF380  }
0x9e: {  	[hbm4b:s9+s2] =	stream.linear.scatter [tilespmem:s26], [sflag:$0xF], $0xC80, $0x38;
	[tilespmem:$0xD400] =	vst v63  }
.Ltmp5:
0x9f: {  	_ = 	snop;
	(pc) =	sbr.rel .LBB2_5-.Ltmp5, $4  }
0xa0: {  	_ =	swait.ge [sflag:s12], $0xC80  }
0xa1: {  	[sflag:s12] =	ssyncset.done $0x0  }
0xa2: {  	s10 =	sadd.s32 $0x310, s6;
	[sflag:s12] =	ssyncadd.s32 $0xFFFFF380  }
0xa3: {  	[tilespmem:s26], [sflag:$0x7] =	stream.indirect.gather [hbm4b:s3+s13], $0x40, s10, s13, $0xb8;
	[tilespmem:$0xD400] =	vst v63  }
.LBB2_7:
0xa4: {  	_ =	sfence.sel $0x180000  }
0xa5: {  	[bflag:$0x0] =	sbarrier.arrive $0xFFFF  }
0xa6: {  	_ =	strace $0x90000047  }
0xa7: {  	s0 =	stileid.u32;
	[bflag:$0x2] =	sbarrier.arrive $0xFFFF  }
0xa8: {  	p0 =	sne.s32 s0, $0x0;
	s0 =	rddreg [dreg:$0x2]  }
0xa9: {  	s0 =	sadd.s32 @!p0 $0x100000, s0  }
0xaa: {  	[sflag:s0] =	ssyncadd.tile.s32 @!p0 $0x1;
	_ =	shalt  }
.Lfunc_end2:
_tile_overlayer_lowered:
.L_overlay_start_2:
0xab: {  	(tag) =	ssettag $0x2  }
0xac: {  	s0 =	rddreg [dreg:$0x0];
	s2 =	stileid.u32  }
0xad: {  	s1 =	rddreg [dreg:$0x1];
	p0 =	sne.s32 s2, $0x0  }
0xae: {  	s3 =	rddreg [dreg:$0x2];
	[bflag:$0x3] =	sbarrier.arrive $0xFFFF;
	s2 =	simm.s32 @!p0 $0x1C11  }
0xaf: {  	[timem:s3], [sflag:s2] =	dma.local @!p0 [hbm:s0], s1  }
0xb0: {  	s0 =	simm.s32 @!p0 $0x11  }
0xb1: {  	_ =	swait.ge @!p0 [sflag:s0], s1  }
0xb2: {  	s1 =	ssub.s32 @!p0 $0x0, s1;
	[sflag:s0] =	ssyncset.done @!p0 $0x0  }
0xb3: {  	[sflag:s0] =	ssyncadd.s32 @!p0 s1  }
0xb4: {  	[bflag:$0x3] =	sbarrier.arrive $0xFFFF  }
0xb5: {  	_ =	shalt  }

// kernel: sparse-core-data-format-call.cloned.1.call-start
scs
called_computation_lowered:
.L_overlay_start_0:
0x0: {  	s2 =	sld [smem:$0x3FD9]  }
0x1: {  	s3 =	sld [smem:$0x3FFE];
	_ =	sdelay $0x1  }
0x2: {  	s1 =	srdreg.scid  }
0x3: {  	s0 =	sand.u32 $0x1, s1  }
0x4: {  	s18 =	sshll.u32 s0, $0xA;
	s2 =	sadd.s32 s3, s2  }
0x5: {  	s2 =	sadd.s32 s2, s18  }
0x6: {  	[smem:$0x3FC6] =	sst s2  }
0x7: {  	_ = 	snop  }
0x8: {  	s2 =	sld [smem:$0x3FD0];
	(tm) =	ssettm $0x1  }
0x9: {  	s19 =	sld [smem:$0x3FFB];
	_ =	sdelay $0x3  }
0xa: {  	_ =	strace s19  }
0xb: {  	s3 =	sld [smem:$0x3FFC];
	_ =	sdelay $0x3  }
0xc: {  	_ =	strace s3  }
0xd: {  	s3 =	sld [smem:$0x3FFD];
	_ =	sdelay $0x3  }
0xe: {  	_ =	strace s3  }
0xf: {  	_ =	strace $0x8FFFFFFF  }
0x10: {  	s20 =	sld [smem:$0x3FDB];
	_ =	sdelay $0x1  }
0x11: {  	s4 =	simm.s32 $_scs_section_size  }
0x12: {  	s5 =	simm.s32 $_size__tile_overlayer_lowered;
	s6 =	simm.s32 $_tile_overlayer_lowered  }
0x13: {  	s23 =	simm.s32 $0x1BFF;
	s22 =	sshll.u32 s6, $0x1;
	s3 =	sadd.s32 s4, s20  }
0x14: {  	s7 =	simm.s32 $0x0;
	s21 =	sshll.u32 s5, $0x1;
	s5 =	sadd.s32 s22, s3  }
0x15: {  	[timem:s7], [sflag:s23] =	dma.local [hbm:s5], s21  }
0x16: {  	_ =	swait.ge [sflag:s23], s21  }
0x17: {  	s4 =	ssub.s32 $0x0, s21;
	[sflag:s23] =	ssyncset.done $0x0  }
0x18: {  	[sflag:s23] =	ssyncadd.s32 s4;
	_ =	sdelay $0x1  }
0x19: {  	s24 =	simm.s32 $0x1B8B  }
0x1a: {  	_ =	swait.ge [sflag:s24], $0x1  }
0x1b: {  	[sflag:s24] =	ssyncset.done $0x0  }
0x1c: {  	s26 =	simm.s32 $0x1B8E;
	s25 =	sld [smem:$0x3FFE];
	[sflag:s24] =	ssyncadd.s32 $0xFFFFFFFF  }
0x1d: {  	s27 =	simm.s32 $execute0_lowered;
	[smem:$0x3FD2] =	sst s26  }
0x1e: {  	s5 =	sshll.u32 s27, $0x1;
	_ =	strace $0x80000049;
	[dreg:$0x1] =	wrdreg $0xFFFFFFFF  }
0x1f: {  	s28 =	simm.s32 $_size_execute0_lowered;
	s3 =	sadd.s32 s3, s5;
	[dreg:$0x0] =	wrdreg $0x0  }
0x20: {  	s5 =	sshll.u32 s28, $0x1;
	[dreg:$0x2] =	wrdreg s3  }
0x21: {  	[dreg:$0x3] =	wrdreg s5  }
0x22: {  	[dreg:$0x4] =	wrdreg $0xC0  }
0x23: {  	_ =	task [dreg:s7], $0x5FFFF  }
0x24: {  	[dreg:$0x1] =	wrdreg $0xFFFFFFFF  }
0x25: {  	[dreg:$0x0] =	wrdreg $0x60  }
0x26: {  	[dreg:$0x2] =	wrdreg s25  }
0x27: {  	[dreg:$0x3] =	wrdreg s2  }
0x28: {  	[dreg:$0x4] =	wrdreg $0x9  }
0x29: {  	_ =	task.clear_ibuf [dreg:s7], $0x5FFFF;
	_ =	strace $0x90000049  }
0x2a: {  	s29 =	simm.s32 $0x9;
	_ =	strace $0x8000004B  }
0x2b: {  	_ =	swait.ge [sflag:s29], $0x1  }
0x2c: {  	[sflag:s29] =	ssyncadd.s32 $0xFFFFFFFF  }
0x2d: {  	_ =	strace $0x9000004B  }
0x2e: {  	_ =	sfence  }
0x2f: {  	s30 =	sld [smem:$0x0];
	_ =	sdelay $0x2  }
0x30: {  	s31 =	sshll.u32 s1, $0xD;
	s1 =	sshrl.u32 s1, $0x2  }
0x31: {  	s3 =	sand.u32 $0x4000, s31;
	s1 =	sadd.s32 s1, s30  }
0x32: {  	s0 =	sor.u32 s3, s0;
	s1 =	sshll.u32 s1, $0x11  }
0x33: {  	s0 =	sor.u32 s1, s0  }
0x34: {  	s0 =	sadd.s32 $0x8F2B, s0  }
0x35: {  	[sflag:s0] =	ssyncadd.remote.s32 $0x1  }
0x36: {  	_ =	sfence.sel $0xFFFF  }
0x37: {  	[dreg:$0x0] =	wrdreg $0xFFFFFFFF;
	(pc) =	sbr.abs _section_cstart, $3  }
0x38: {  	[dreg:$0x1] =	wrdreg $0xFFFFFFFF  }
0x39: {  	_ =	task.clear_ibuf [dreg:s7], $0x2FFFF;
	_ =	strace $0x9FFFFFFF  }
0x3a: {  	(tm) =	ssettm $0x7FFFFFFF  }
0x3b: {  	_ =	shalt  }
tec
execute0_lowered:
.L_overlay_start_1:
0x0: {  	(tag) =	ssettag $0x1  }
0x1: {  	s0 =	srdreg.scid  }
0x2: {  	s1 =	sshll.u32 s0, $0x4  }
0x3: {  	s0 =	stileid.u32;
	s1 =	sand.u32 $0x10, s1  }
0x4: {  	s1 =	sor.u32 s0, s1  }
0x5: {  	s6 =	rddreg [dreg:$0x0];
	s4 =	simm.s32 $0x1;
	s2 =	sshll.u32 s1, $0x7  }
0x6: {  	s7 =	simm.s32 $0x2;
	s12 =	simm.s32 $0x0;
	s1 =	ssub.s32 $0x4000, s2  }
0x7: {  	s8 =	simm.s32 $0x20000;
	s13 =	simm.s32 $0x0;
	s3 =	sand.u32 $0xF80, s1  }
0x8: {  	s9 =	simm.s32 $0x0;
	s5 =	sshrl.u32 s1, $0xC;
	p0 =	sne.s32 s3, $0x0  }
.Ltmp0:
0x9: {  	s1 =	rddreg [dreg:$0x2];
	s4 =	simm.s32 @!p0 $0x0;
	(pc) =	sbr.rel .LBB1_1-.Ltmp0, $4  }
0xa: {  	s11 =	simm.s32 $0x0;
	s3 =	rddreg [dreg:$0x1];
	s5 =	sadd.s32 s4, s5  }
0xb: {  	_ =	strace $0x8000004A;
	s4 =	simm.s32 $0x1;
	s5 =	smul.u32 $0x32, s5  }
0xc: {  	s6 =	sadd.s32 $0xA00, s6;
	s10 =	smov.u32 s2;
	[sflag:s4] =	ssyncpa.u1 $0x0  }
0xd: {  	p0 =	por $0x0, $0x0;
	[sflag:s7] =	ssyncpa.u1 $0x0;
	s7 =	sor.u32 $0x1, s5  }
.LBB1_4:
0xe: {  	s16 =	sshll.u32 s13, $0x3;
	s17 =	sand.u32 $0x78, s13  }
0xf: {  	s30 =	sand.u32 $0x1F800, s13;
	s12 =	sshll.u32 s12, $0x11;
	s16 =	sand.u32 $0x3C00, s16  }
0x10: {  	[tilespmem:s15+$0x810 ss:$0x81] =	vst.msk $0xffff, v2;
	s31 =	sand.u32 $0x7, s13;
	s16 =	sor.u32 s17, s16;
	s17 =	sadd.s32 s3, s30  }
0x11: {  	[tilespmem:s15+$0x1020 ss:$0x81] =	vst.msk $0xffff, v0;
	s13 =	sshll.u32 s31, $0x12;
	s12 =	sadd.s32 s12, s17;
	s16 =	sshrl.u32 s16, $0x3  }
0x12: {  	[tilespmem:s15+$0x0 ss:$0x81] =	vst.msk $0xffff, v1;
	s13 =	sor.u32 $0x400, s13;
	s12 =	sadd.s32 s16, s12  }
0x13: {  	[hbm4b:s12+s13] =	stream.strided.scatter [tilespmem:s14], [sflag:$0x2], $0x2000, s8, s13, $0x20;
	[tilespmem:$0x8080] =	vst v63  }
.LBB1_5:
0x14: {  	s14 =	sadd.s32 $0x1, s9  }
0x15: {  	s12 =	sadd.s32 $0x1000, s10;
	s16 =	smov.u32 s10;
	p2 =	sgt.s32 s14, $0x31  }
0x16: {  	s16 =	smov.u32 @p2 s12  }
0x17: {  	s14 =	simm.s32 @p2 $0x0;
	p2 =	sgt.s32 s16, $0x3FFF  }
0x18: {  	s16 =	smov.u32 @p2 s2;
	p2 =	sne.s32 s11, s7  }
.Ltmp1:
0x19: {  	p1 =	slt.u32 s11, $0x2;
	(pc) =	sbr.rel @!p2 .LBB1_6-.Ltmp1, $4  }
0x1a: {  	s15 =	simm.s32 @!p1 $0x2  }
0x1b: {  	s13 =	smov.u32 s10;
	p0 =	por !p0, !p0;
	_ =	swait.ge @!p1 [sflag:s15], $0x2000  }
0x1c: {  	s12 =	smov.u32 s9;
	[sflag:s15] =	ssyncset.done @!p1 $0x0;
	s9 =	smov.u32 s14  }
0x1d: {  	s11 =	sadd.s32 $0x1, s11;
	[sflag:s15] =	ssyncadd.s32 @!p1 $0xFFFFE000;
	s10 =	smov.u32 s16  }
.LBB1_1:
0x1e: {  	p1 =	sge.u32 s11, s5  }
0x1f: {  	s14 =	sand.u32 @!p1 $0x1FFFFFF, s9  }
0x20: {  	s15 =	smulhi.u32 @!p1 $0x4924925, s14;
	_ =	sdelay $0x1  }
0x21: {  	s15 =	smul.u32 @!p1 $0x38, s15  }
0x22: {  	s16 =	sxor.u32 @!p1 $0xFFFFFFFF, s11;
	s17 =	smul.u32 @!p1 $0x380, s10  }
0x23: {  	s31 =	sadd.s32 $0xFFFFFFFF, s11;
	s16 =	sshll.u32 @!p1 s16, $0xD;
	s14 =	ssub.s32 @!p1 s14, s15  }
0x24: {  	s15 =	sand.u32 @!p1 $0x2000, s16;
	s16 =	sadd.s32 @!p1 s6, s17;
	s14 =	sshll.u32 @!p1 s14, $0x4  }
0x25: {  	s17 =	simm.s32 @!p1 $0x1C00;
	s14 =	sadd.s32 @!p1 s14, s16;
	s16 =	simm.s32 @!p1 $0x40  }
0x26: {  	[tilespmem:s15], [sflag:$0x1] =	stream.strided.gather @!p1 [hbm4b:s14+s16], $0x2000, s17, s16, $0x38;
	[tilespmem:$0x8080] =	vst v63  }
0x27: {  	p1 =	sge.u32 s31, s5  }
.Ltmp2:
0x28: {  	_ = 	snop;
	(pc) =	sbr.rel @p1 .LBB1_5-.Ltmp2, $1  }
0x29: {  	_ =	sdelay $0x3  }
0x2a: {  	s14 =	simm.s32 $0x1  }
0x2b: {  	_ =	swait.ge [sflag:s4], $0x2000;
	s14 =	simm.s32 @!p0 $0x0  }
0x2c: {  	[sflag:s4] =	ssyncset.done $0x0;
	s15 =	sshll.u32 s14, $0xD  }
0x2d: {  	[sflag:s4] =	ssyncadd.s32 $0xFFFFE000;
	s18 =	sor.u32 $0x20, s15  }
0x2e: {  	s14 =	smul.u32 $0x8100, s14;
	v3 =	vld [tilespmem:s18+$0x10]  }
0x2f: {  	s30 =	sand.u32 $0x1, s11;
	v2 =	vld [tilespmem:s18+$0xFFFFFFF0]  }
0x30: {  	s15 =	smul.u32 $0x8100, s30;
	s14 =	sshrl.u32 s14, $0x2;
	v0 =	vld [tilespmem:s18+$0x0]  }
0x31: {  	v1 =	vld [tilespmem:s18+$0xFFFFFFE0];
	s16 =	sor.u32 $0x4000, s14  }
0x32: {  	s31 =	sshrl.u32 s15, $0x2;
	s15 =	sadd.s32 $0x0, s16  }
0x33: {  	s17 =	simm.s32 $0x4;
	s18 =	sadd.s32 $0x40, s18;
	s14 =	sor.u32 $0x4000, s31;
	[tilespmem:s15+$0x1830 ss:$0x81] =	vst.msk $0xffff, v3  }
.LBB1_3:
0x34: {  	v3 =	vld [tilespmem:s18+$0x10];
	p1 =	sne.s32 s17, $0x1FC;
	[tilespmem:s15+$0x810 ss:$0x81] =	vst.msk $0xffff, v2;
	s19 =	smov.u32 s17;
	s17 =	sadd.s32 $0x4, s17  }
.Ltmp3:
0x35: {  	v2 =	vld [tilespmem:s18+$0xFFFFFFF0];
	[tilespmem:s15+$0x1020 ss:$0x81] =	vst.msk $0xffff, v0;
	(pc) =	sbr.rel @p1 .LBB1_3-.Ltmp3, $4  }
0x36: {  	v0 =	vld [tilespmem:s18+$0x0];
	[tilespmem:s15+$0x0 ss:$0x81] =	vst.msk $0xffff, v1  }
0x37: {  	s15 =	sshra.s32 s19, $0x2;
	v1 =	vld [tilespmem:s18+$0xFFFFFFE0]  }
0x38: {  	s15 =	sadd.s32 s15, s16  }
0x39: {  	s18 =	sadd.s32 $0x40, s18;
	[tilespmem:s15+$0x1830 ss:$0x81] =	vst.msk $0xffff, v3  }
.Ltmp4:
0x3a: {  	_ = 	snop;
	(pc) =	sbr.rel .LBB1_4-.Ltmp4, $1  }
0x3b: {  	_ =	sdelay $0x3  }
.LBB1_6:
0x3c: {  	_ =	sfence.sel $0x180000  }
0x3d: {  	s2 =	simm.s32 $0x1;
	[bflag:$0x0] =	sbarrier.arrive $0xFFFF  }
0x3e: {  	s31 =	simm.s32 $0x2;
	[sflag:s2] =	ssyncpa.u1 $0x1  }
0x3f: {  	[sflag:s31] =	ssyncpa.u1 $0x1  }
0x40: {  	p0 =	sne.s32 s0, $0x0;
	_ =	strace $0x9000004A  }
0x41: {  	s0 =	sadd.s32 @!p0 $0x100000, s1;
	[bflag:$0x2] =	sbarrier.arrive $0xFFFF  }
0x42: {  	[sflag:s0] =	ssyncadd.tile.s32 @!p0 $0x1;
	_ =	shalt  }
.Lfunc_end1:
_tile_overlayer_lowered:
.L_overlay_start_2:
0x43: {  	(tag) =	ssettag $0x2  }
0x44: {  	s0 =	rddreg [dreg:$0x0];
	s2 =	stileid.u32  }
0x45: {  	s1 =	rddreg [dreg:$0x1];
	p0 =	sne.s32 s2, $0x0  }
0x46: {  	s3 =	rddreg [dreg:$0x2];
	[bflag:$0x3] =	sbarrier.arrive $0xFFFF;
	s2 =	simm.s32 @!p0 $0x1C01  }
0x47: {  	[timem:s3], [sflag:s2] =	dma.local @!p0 [hbm:s0], s1  }
0x48: {  	s0 =	simm.s32 @!p0 $0x1  }
0x49: {  	_ =	swait.ge @!p0 [sflag:s0], s1  }
0x4a: {  	s1 =	ssub.s32 @!p0 $0x0, s1;
	[sflag:s0] =	ssyncset.done @!p0 $0x0  }
0x4b: {  	[sflag:s0] =	ssyncadd.s32 @!p0 s1  }
0x4c: {  	[bflag:$0x3] =	sbarrier.arrive $0xFFFF  }
0x4d: {  	_ =	shalt  }

</sc_bundles>
